<compile_context>
chip_gen: v7x
topology: tpu7x:2x2x1
jax: 0.10.2.dev20260603
libtpu: 0.0.44.dev20260713+nightly
codegen_flags: <defaults>
</compile_context>

<pallas_src>
import functools

import jax
import jax.numpy as jnp
from jax import lax
from jax.experimental import pallas as pl
from jax.experimental.pallas import tpu as pltpu
from jax.experimental.pallas import tpu_sc as plsc

CAP = 8192
G = 8
HD = 128
NEW = 32
BLK = 512
NBLK = CAP // BLK

NC, NS = 2, 16
NW = NC * NS
RPW = CAP // NW
CHR = 32
NCH = RPW // CHR


def _keys_body(cl_ref, keys, new_keys, out_k):
    i = pl.program_id(0)
    blk_start = i * BLK
    out_k[...] = keys[...]

    cl = cl_ref[0]

    @pl.when(jnp.logical_and(cl + NEW > blk_start, cl < blk_start + BLK))
    def _():
        def body(r, carry):
            dest = cl + r - blk_start

            @pl.when(jnp.logical_and(dest >= 0, dest < BLK))
            def _():
                out_k[pl.ds(dest, 1)] = new_keys[pl.ds(r, 1)]

            return carry

        lax.fori_loop(0, NEW, body, 0)


_sc_mesh = plsc.VectorSubcoreMesh(
    core_axis_name="c", subcore_axis_name="s", num_cores=NC, num_subcores=NS
)


@functools.partial(
    pl.kernel,
    out_type=jax.ShapeDtypeStruct((CAP, G, HD), jnp.float32),
    mesh=_sc_mesh,
    scratch_types=[
        pltpu.VMEM((2, CHR, G, HD), jnp.float32),
        pltpu.VMEM((16,), jnp.int32),
        pltpu.SemaphoreType.DMA((2,)),
        pltpu.SemaphoreType.DMA((2,)),
    ],
    compiler_params=pltpu.CompilerParams(use_tc_tiling_on_sc=True),
)
def _values_sc(values, cl_vec, new_values, out_v, bufs, cl_vmem,
               in_sem, out_sem):
    wid = lax.axis_index("c") * NS + lax.axis_index("s")
    base = wid * RPW

    pltpu.sync_copy(cl_vec, cl_vmem)
    cl = cl_vmem[...][0]

    in_d = [None] * NCH
    out_d = [None] * NCH
    for step in range(NCH + 1):
        c = step
        if c < NCH:
            b = c % 2
            if c >= 2:
                out_d[c - 2].wait()
            sl = pl.ds(base + c * CHR, CHR)
            in_d[c] = pltpu.make_async_copy(values.at[sl], bufs.at[b],
                                            in_sem.at[b])
            in_d[c].start()
        co = step - 1
        if co >= 0:
            b = co % 2
            in_d[co].wait()
            sl = pl.ds(base + co * CHR, CHR)
            out_d[co] = pltpu.make_async_copy(bufs.at[b], out_v.at[sl],
                                              out_sem.at[b])
            out_d[co].start()
    out_d[NCH - 2].wait()
    out_d[NCH - 1].wait()

    def body(r, carry):
        dest = cl + r

        @pl.when(jnp.logical_and(dest >= base, dest < base + RPW))
        def _():
            pltpu.sync_copy(new_values.at[pl.ds(r, 1)],
                            out_v.at[pl.ds(dest, 1)])

        return carry

    lax.fori_loop(0, NEW, body, 0)


def kernel(keys, values, current_length, new_keys, new_values):
    cl1 = current_length.reshape(1)
    cl_vec = jnp.full((16,), current_length, dtype=jnp.int32)
    out_v = _values_sc(values, cl_vec, new_values)
    out_k = pl.pallas_call(
        _keys_body,
        grid=(NBLK,),
        in_specs=[
            pl.BlockSpec(memory_space=pltpu.SMEM),
            pl.BlockSpec((BLK, G, HD), lambda i: (i, 0, 0)),
            pl.BlockSpec((NEW, G, HD), lambda i: (0, 0, 0)),
        ],
        out_specs=pl.BlockSpec((BLK, G, HD), lambda i: (i, 0, 0)),
        out_shape=jax.ShapeDtypeStruct((CAP, G, HD), jnp.float32),
        compiler_params=pltpu.CompilerParams(
            dimension_semantics=("arbitrary",),
        ),
    )(cl1, keys, new_keys)
    return (out_k, out_v, current_length + NEW)

# --- scband reference (transcript-rebuilt; emitter-appended) ---
"""Pipeline reference for scband-static-kvcache-layer-34806414967046 (READ-ONLY COPY).

The authoritative reference and input builder live on the scoring server;
editing this copy changes nothing except your own understanding.
"""

import jax, jax.numpy as jnp
import numpy as np
from jax.lax import dynamic_update_slice_in_dim

CAPACITY, GROUPS, HEAD_DIM = 8192, 8, 128
NEW_TOKENS = 32
CUR_LEN = 4096


def setup_inputs(seed: int = 0) -> dict:
    key = jax.random.key(seed)
    k1, k2, k3, k4 = jax.random.split(key, 4)
    return {
        "keys": jax.random.normal(k1, (CAPACITY, GROUPS, HEAD_DIM), dtype=jnp.float32),
        "values": jax.random.normal(k2, (CAPACITY, GROUPS, HEAD_DIM), dtype=jnp.float32),
        "current_length": jnp.array(CUR_LEN, dtype=jnp.int32),
        "new_keys": jax.random.normal(k3, (NEW_TOKENS, GROUPS, HEAD_DIM), dtype=jnp.float32),
        "new_values": jax.random.normal(k4, (NEW_TOKENS, GROUPS, HEAD_DIM), dtype=jnp.float32),
    }


def reference(keys, values, current_length, new_keys, new_values):
    # StaticKVCacheLayer.extend: scatter (overwrite) the new K/V tokens into the
    # static ring buffer at offset current_length, then bump the length counter.
    if new_keys.shape != new_values.shape:
        raise ValueError('Keys and values must have the same shape')
    num_new_tokens, new_num_groups, new_head_dim = new_keys.shape
    _, old_num_groups, old_head_dim = keys.shape
    if new_num_groups != old_num_groups or new_head_dim != old_head_dim:
        raise ValueError('New keys and values must have the same number of groups and head dimensions')
    updated_keys = dynamic_update_slice_in_dim(keys, new_keys, current_length, 0)
    updated_values = dynamic_update_slice_in_dim(values, new_values, current_length, 0)
    updated_sequence_length = current_length + num_new_tokens
    return (updated_keys, updated_values, updated_sequence_length)

if __name__ == "__main__":
    import jax
    _d = setup_inputs()
    print(jax.jit(kernel)(*tuple(_d.values())))

</pallas_src>

<mosaic_0001>
#map = affine_map<(d0, d1) -> (0, 0, 0)>
#map1 = affine_map<(d0, d1) -> (0)>
module attributes {stable_mosaic.version = 14 : i64} {
  func.func @_values_sc(%arg0: i32, %arg1: i32, %arg2: memref<8192x8x128xf32, #tpu.memory_space<hbm>>, %arg3: memref<16xi32, #tpu.memory_space<hbm>>, %arg4: memref<32x8x128xf32, #tpu.memory_space<hbm>>, %arg5: memref<8192x8x128xf32, #tpu.memory_space<hbm>>, %arg6: memref<2x32x8x128xf32, #tpu.memory_space<vmem>>, %arg7: memref<16xi32, #tpu.memory_space<vmem>>, %arg8: memref<2x!tpu.dma_semaphore, #tpu.memory_space<semaphore_mem>>, %arg9: memref<2x!tpu.dma_semaphore, #tpu.memory_space<semaphore_mem>>) attributes {dimension_semantics = [#tpu.dimension_semantics<core_parallel>, #tpu.dimension_semantics<subcore_parallel>], iteration_bounds = array<i64: 2, 16>, scalar_prefetch = 0 : i64, scratch_operands = 4 : i64, tpu.core_type = #tpu.core_type<sc_vector_subcore>, window_params = [{transform_indices = #map}, {transform_indices = #map1}, {transform_indices = #map}, {transform_indices = #map}]} {
    %mul3A = arith.constant 16 : i32
    %mul3A_0 = arith.muli %arg0, %mul3A : i32
    %add3A = arith.addi %mul3A_0, %arg1 : i32
    %mul3A_1 = arith.constant 256 : i32
    %mul3A_2 = arith.muli %add3A, %mul3A_1 : i32
    "tpu.region"() ({
      %run_scoped3A = tpu.sem_alloc : memref<!tpu.dma_semaphore, #tpu.memory_space<semaphore_mem>>
      tpu.enqueue_dma source(%arg3 : memref<16xi32, #tpu.memory_space<hbm>>) target(%arg7 : memref<16xi32, #tpu.memory_space<vmem>>) target_semaphore(%run_scoped3A : memref<!tpu.dma_semaphore, #tpu.memory_space<semaphore_mem>>)
      tpu.wait_dma2 semaphore(%run_scoped3A : memref<!tpu.dma_semaphore, #tpu.memory_space<semaphore_mem>>) src(%arg3 : memref<16xi32, #tpu.memory_space<hbm>>) dst(%arg7 : memref<16xi32, #tpu.memory_space<vmem>>)
      tpu.yield
    }) : () -> ()
    %get3A = arith.constant 0 : index
    %get3A_3 = tpu.vector_load %arg7[%get3A] {strides = array<i32>} : memref<16xi32, #tpu.memory_space<vmem>>, vector<16xi32>,
    %get3A_4 = vector.shape_cast %get3A_3 : vector<16xi32> to vector<16xi32>
    %slice3A = vector.extract_strided_slice %get3A_4 {offsets = [0], sizes = [1], strides = [1]} : vector<16xi32> to vector<1xi32>
    %squeeze3A = vector.extract %slice3A[0] : i32 from vector<1xi32>
    %add3A_5 = arith.constant 0 : i32
    %add3A_6 = arith.addi %mul3A_2, %add3A_5 : i32
    %dma_start3A = arith.constant 0 : i32
    %dma_start3A_7 = arith.constant 0 : i32
    %dma_start3A_8 = arith.constant 0 : i32
    %dma_start3A_9 = arith.constant 0 : i32
    %dma_start3A_10 = arith.constant 0 : i32
    %dma_start3A_11 = tpu.memref_slice %arg6[%dma_start3A, %dma_start3A_8, %dma_start3A_9, %dma_start3A_10] : memref<2x32x8x128xf32, #tpu.memory_space<vmem>> -> memref<1x32x8x128xf32, #tpu.memory_space<vmem>>
    %dma_start3A_12 = tpu.memref_squeeze %dma_start3A_11 : memref<1x32x8x128xf32, #tpu.memory_space<vmem>> -> memref<32x8x128xf32, #tpu.memory_space<vmem>>
    %dma_start3A_13 = arith.constant 0 : i32
    %dma_start3A_14 = arith.constant 0 : i32
    %dma_start3A_15 = tpu.memref_slice %arg2[%add3A_6, %dma_start3A_13, %dma_start3A_14] : memref<8192x8x128xf32, #tpu.memory_space<hbm>> -> memref<32x8x128xf32, #tpu.memory_space<hbm>>
    %dma_start3A_16 = tpu.memref_slice %arg8[%dma_start3A_7] : memref<2x!tpu.dma_semaphore, #tpu.memory_space<semaphore_mem>> -> memref<1x!tpu.dma_semaphore, #tpu.memory_space<semaphore_mem>>
    %dma_start3A_17 = tpu.memref_squeeze %dma_start3A_16 : memref<1x!tpu.dma_semaphore, #tpu.memory_space<semaphore_mem>> -> memref<!tpu.dma_semaphore, #tpu.memory_space<semaphore_mem>>
    %dma_start3A_18 = arith.constant 0 : i32
    %dma_start3A_19 = arith.constant 0 : i32
    %dma_start3A_20 = arith.constant 0 : i32
    %dma_start3A_21 = tpu.memref_slice %arg6[%dma_start3A, %dma_start3A_18, %dma_start3A_19, %dma_start3A_20] : memref<2x32x8x128xf32, #tpu.memory_space<vmem>> -> memref<1x32x8x128xf32, #tpu.memory_space<vmem>>
    %dma_start3A_22 = tpu.memref_squeeze %dma_start3A_21 : memref<1x32x8x128xf32, #tpu.memory_space<vmem>> -> memref<32x8x128xf32, #tpu.memory_space<vmem>>
    %dma_start3A_23 = arith.constant 0 : i32
    %dma_start3A_24 = arith.constant 0 : i32
    %dma_start3A_25 = tpu.memref_slice %arg2[%add3A_6, %dma_start3A_23, %dma_start3A_24] : memref<8192x8x128xf32, #tpu.memory_space<hbm>> -> memref<32x8x128xf32, #tpu.memory_space<hbm>>
    tpu.enqueue_dma source(%dma_start3A_25 : memref<32x8x128xf32, #tpu.memory_space<hbm>>) target(%dma_start3A_22 : memref<32x8x128xf32, #tpu.memory_space<vmem>>) target_semaphore(%dma_start3A_17 : memref<!tpu.dma_semaphore, #tpu.memory_space<semaphore_mem>>)
    %add3A_26 = arith.constant 32 : i32
    %add3A_27 = arith.addi %mul3A_2, %add3A_26 : i32
    %dma_start3A_28 = arith.constant 1 : i32
    %dma_start3A_29 = arith.constant 1 : i32
    %dma_start3A_30 = arith.constant 0 : i32
    %dma_start3A_31 = arith.constant 0 : i32
    %dma_start3A_32 = arith.constant 0 : i32
    %dma_start3A_33 = tpu.memref_slice %arg6[%dma_start3A_28, %dma_start3A_30, %dma_start3A_31, %dma_start3A_32] : memref<2x32x8x128xf32, #tpu.memory_space<vmem>> -> memref<1x32x8x128xf32, #tpu.memory_space<vmem>>
    %dma_start3A_34 = tpu.memref_squeeze %dma_start3A_33 : memref<1x32x8x128xf32, #tpu.memory_space<vmem>> -> memref<32x8x128xf32, #tpu.memory_space<vmem>>
    %dma_start3A_35 = arith.constant 0 : i32
    %dma_start3A_36 = arith.constant 0 : i32
    %dma_start3A_37 = tpu.memref_slice %arg2[%add3A_27, %dma_start3A_35, %dma_start3A_36] : memref<8192x8x128xf32, #tpu.memory_space<hbm>> -> memref<32x8x128xf32, #tpu.memory_space<hbm>>
    %dma_start3A_38 = tpu.memref_slice %arg8[%dma_start3A_29] : memref<2x!tpu.dma_semaphore, #tpu.memory_space<semaphore_mem>> -> memref<1x!tpu.dma_semaphore, #tpu.memory_space<semaphore_mem>>
    %dma_start3A_39 = tpu.memref_squeeze %dma_start3A_38 : memref<1x!tpu.dma_semaphore, #tpu.memory_space<semaphore_mem>> -> memref<!tpu.dma_semaphore, #tpu.memory_space<semaphore_mem>>
    %dma_start3A_40 = arith.constant 0 : i32
    %dma_start3A_41 = arith.constant 0 : i32
    %dma_start3A_42 = arith.constant 0 : i32
    %dma_start3A_43 = tpu.memref_slice %arg6[%dma_start3A_28, %dma_start3A_40, %dma_start3A_41, %dma_start3A_42] : memref<2x32x8x128xf32, #tpu.memory_space<vmem>> -> memref<1x32x8x128xf32, #tpu.memory_space<vmem>>
    %dma_start3A_44 = tpu.memref_squeeze %dma_start3A_43 : memref<1x32x8x128xf32, #tpu.memory_space<vmem>> -> memref<32x8x128xf32, #tpu.memory_space<vmem>>
    %dma_start3A_45 = arith.constant 0 : i32
    %dma_start3A_46 = arith.constant 0 : i32
    %dma_start3A_47 = tpu.memref_slice %arg2[%add3A_27, %dma_start3A_45, %dma_start3A_46] : memref<8192x8x128xf32, #tpu.memory_space<hbm>> -> memref<32x8x128xf32, #tpu.memory_space<hbm>>
    tpu.enqueue_dma source(%dma_start3A_47 : memref<32x8x128xf32, #tpu.memory_space<hbm>>) target(%dma_start3A_44 : memref<32x8x128xf32, #tpu.memory_space<vmem>>) target_semaphore(%dma_start3A_39 : memref<!tpu.dma_semaphore, #tpu.memory_space<semaphore_mem>>)
    %dma_wait3A = arith.constant 0 : i32
    %dma_wait3A_48 = arith.constant 0 : i32
    %dma_wait3A_49 = arith.constant 0 : i32
    %dma_wait3A_50 = arith.constant 0 : i32
    %dma_wait3A_51 = arith.constant 0 : i32
    %dma_wait3A_52 = tpu.memref_slice %arg6[%dma_wait3A, %dma_wait3A_49, %dma_wait3A_50, %dma_wait3A_51] : memref<2x32x8x128xf32, #tpu.memory_space<vmem>> -> memref<1x32x8x128xf32, #tpu.memory_space<vmem>>
    %dma_wait3A_53 = tpu.memref_squeeze %dma_wait3A_52 : memref<1x32x8x128xf32, #tpu.memory_space<vmem>> -> memref<32x8x128xf32, #tpu.memory_space<vmem>>
    %dma_wait3A_54 = arith.constant 0 : i32
    %dma_wait3A_55 = arith.constant 0 : i32
    %dma_wait3A_56 = tpu.memref_slice %arg2[%add3A_6, %dma_wait3A_54, %dma_wait3A_55] : memref<8192x8x128xf32, #tpu.memory_space<hbm>> -> memref<32x8x128xf32, #tpu.memory_space<hbm>>
    %dma_wait3A_57 = tpu.memref_slice %arg8[%dma_wait3A_48] : memref<2x!tpu.dma_semaphore, #tpu.memory_space<semaphore_mem>> -> memref<1x!tpu.dma_semaphore, #tpu.memory_space<semaphore_mem>>
    %dma_wait3A_58 = tpu.memref_squeeze %dma_wait3A_57 : memref<1x!tpu.dma_semaphore, #tpu.memory_space<semaphore_mem>> -> memref<!tpu.dma_semaphore, #tpu.memory_space<semaphore_mem>>
    %dma_wait3A_59 = arith.constant 0 : i32
    %dma_wait3A_60 = arith.constant 0 : i32
    %dma_wait3A_61 = arith.constant 0 : i32
    %dma_wait3A_62 = tpu.memref_slice %arg6[%dma_wait3A, %dma_wait3A_59, %dma_wait3A_60, %dma_wait3A_61] : memref<2x32x8x128xf32, #tpu.memory_space<vmem>> -> memref<1x32x8x128xf32, #tpu.memory_space<vmem>>
    %dma_wait3A_63 = tpu.memref_squeeze %dma_wait3A_62 : memref<1x32x8x128xf32, #tpu.memory_space<vmem>> -> memref<32x8x128xf32, #tpu.memory_space<vmem>>
    %dma_wait3A_64 = arith.constant 0 : i32
    %dma_wait3A_65 = arith.constant 0 : i32
    %dma_wait3A_66 = tpu.memref_slice %arg2[%add3A_6, %dma_wait3A_64, %dma_wait3A_65] : memref<8192x8x128xf32, #tpu.memory_space<hbm>> -> memref<32x8x128xf32, #tpu.memory_space<hbm>>
    tpu.wait_dma2 semaphore(%dma_wait3A_58 : memref<!tpu.dma_semaphore, #tpu.memory_space<semaphore_mem>>) src(%dma_wait3A_66 : memref<32x8x128xf32, #tpu.memory_space<hbm>>) dst(%dma_wait3A_63 : memref<32x8x128xf32, #tpu.memory_space<vmem>>)
    %add3A_67 = arith.constant 0 : i32
    %add3A_68 = arith.addi %mul3A_2, %add3A_67 : i32
    %dma_start3A_69 = arith.constant 0 : i32
    %dma_start3A_70 = arith.constant 0 : i32
    %dma_start3A_71 = arith.constant 0 : i32
    %dma_start3A_72 = arith.constant 0 : i32
    %dma_start3A_73 = arith.constant 0 : i32
    %dma_start3A_74 = tpu.memref_slice %arg6[%dma_start3A_69, %dma_start3A_71, %dma_start3A_72, %dma_start3A_73] : memref<2x32x8x128xf32, #tpu.memory_space<vmem>> -> memref<1x32x8x128xf32, #tpu.memory_space<vmem>>
    %dma_start3A_75 = tpu.memref_squeeze %dma_start3A_74 : memref<1x32x8x128xf32, #tpu.memory_space<vmem>> -> memref<32x8x128xf32, #tpu.memory_space<vmem>>
    %dma_start3A_76 = arith.constant 0 : i32
    %dma_start3A_77 = arith.constant 0 : i32
    %dma_start3A_78 = tpu.memref_slice %arg5[%add3A_68, %dma_start3A_76, %dma_start3A_77] : memref<8192x8x128xf32, #tpu.memory_space<hbm>> -> memref<32x8x128xf32, #tpu.memory_space<hbm>>
    %dma_start3A_79 = tpu.memref_slice %arg9[%dma_start3A_70] : memref<2x!tpu.dma_semaphore, #tpu.memory_space<semaphore_mem>> -> memref<1x!tpu.dma_semaphore, #tpu.memory_space<semaphore_mem>>
    %dma_start3A_80 = tpu.memref_squeeze %dma_start3A_79 : memref<1x!tpu.dma_semaphore, #tpu.memory_space<semaphore_mem>> -> memref<!tpu.dma_semaphore, #tpu.memory_space<semaphore_mem>>
    %dma_start3A_81 = arith.constant 0 : i32
    %dma_start3A_82 = arith.constant 0 : i32
    %dma_start3A_83 = tpu.memref_slice %arg5[%add3A_68, %dma_start3A_81, %dma_start3A_82] : memref<8192x8x128xf32, #tpu.memory_space<hbm>> -> memref<32x8x128xf32, #tpu.memory_space<hbm>>
    %dma_start3A_84 = arith.constant 0 : i32
    %dma_start3A_85 = arith.constant 0 : i32
    %dma_start3A_86 = arith.constant 0 : i32
    %dma_start3A_87 = tpu.memref_slice %arg6[%dma_start3A_69, %dma_start3A_84, %dma_start3A_85, %dma_start3A_86] : memref<2x32x8x128xf32, #tpu.memory_space<vmem>> -> memref<1x32x8x128xf32, #tpu.memory_space<vmem>>
    %dma_start3A_88 = tpu.memref_squeeze %dma_start3A_87 : memref<1x32x8x128xf32, #tpu.memory_space<vmem>> -> memref<32x8x128xf32, #tpu.memory_space<vmem>>
    tpu.enqueue_dma source(%dma_start3A_88 : memref<32x8x128xf32, #tpu.memory_space<vmem>>) target(%dma_start3A_83 : memref<32x8x128xf32, #tpu.memory_space<hbm>>) target_semaphore(%dma_start3A_80 : memref<!tpu.dma_semaphore, #tpu.memory_space<semaphore_mem>>)
    %dma_wait3A_89 = arith.constant 0 : i32
    %dma_wait3A_90 = arith.constant 0 : i32
    %dma_wait3A_91 = arith.constant 0 : i32
    %dma_wait3A_92 = arith.constant 0 : i32
    %dma_wait3A_93 = arith.constant 0 : i32
    %dma_wait3A_94 = tpu.memref_slice %arg6[%dma_wait3A_89, %dma_wait3A_91, %dma_wait3A_92, %dma_wait3A_93] : memref<2x32x8x128xf32, #tpu.memory_space<vmem>> -> memref<1x32x8x128xf32, #tpu.memory_space<vmem>>
    %dma_wait3A_95 = tpu.memref_squeeze %dma_wait3A_94 : memref<1x32x8x128xf32, #tpu.memory_space<vmem>> -> memref<32x8x128xf32, #tpu.memory_space<vmem>>
    %dma_wait3A_96 = arith.constant 0 : i32
    %dma_wait3A_97 = arith.constant 0 : i32
    %dma_wait3A_98 = tpu.memref_slice %arg5[%add3A_68, %dma_wait3A_96, %dma_wait3A_97] : memref<8192x8x128xf32, #tpu.memory_space<hbm>> -> memref<32x8x128xf32, #tpu.memory_space<hbm>>
    %dma_wait3A_99 = tpu.memref_slice %arg9[%dma_wait3A_90] : memref<2x!tpu.dma_semaphore, #tpu.memory_space<semaphore_mem>> -> memref<1x!tpu.dma_semaphore, #tpu.memory_space<semaphore_mem>>
    %dma_wait3A_100 = tpu.memref_squeeze %dma_wait3A_99 : memref<1x!tpu.dma_semaphore, #tpu.memory_space<semaphore_mem>> -> memref<!tpu.dma_semaphore, #tpu.memory_space<semaphore_mem>>
    %dma_wait3A_101 = arith.constant 0 : i32
    %dma_wait3A_102 = arith.constant 0 : i32
    %dma_wait3A_103 = tpu.memref_slice %arg5[%add3A_68, %dma_wait3A_101, %dma_wait3A_102] : memref<8192x8x128xf32, #tpu.memory_space<hbm>> -> memref<32x8x128xf32, #tpu.memory_space<hbm>>
    %dma_wait3A_104 = arith.constant 0 : i32
    %dma_wait3A_105 = arith.constant 0 : i32
    %dma_wait3A_106 = arith.constant 0 : i32
    %dma_wait3A_107 = tpu.memref_slice %arg6[%dma_wait3A_89, %dma_wait3A_104, %dma_wait3A_105, %dma_wait3A_106] : memref<2x32x8x128xf32, #tpu.memory_space<vmem>> -> memref<1x32x8x128xf32, #tpu.memory_space<vmem>>
    %dma_wait3A_108 = tpu.memref_squeeze %dma_wait3A_107 : memref<1x32x8x128xf32, #tpu.memory_space<vmem>> -> memref<32x8x128xf32, #tpu.memory_space<vmem>>
    tpu.wait_dma2 semaphore(%dma_wait3A_100 : memref<!tpu.dma_semaphore, #tpu.memory_space<semaphore_mem>>) src(%dma_wait3A_108 : memref<32x8x128xf32, #tpu.memory_space<vmem>>) dst(%dma_wait3A_103 : memref<32x8x128xf32, #tpu.memory_space<hbm>>)
    %add3A_109 = arith.constant 64 : i32
    %add3A_110 = arith.addi %mul3A_2, %add3A_109 : i32
    %dma_start3A_111 = arith.constant 0 : i32
    %dma_start3A_112 = arith.constant 0 : i32
    %dma_start3A_113 = arith.constant 0 : i32
    %dma_start3A_114 = arith.constant 0 : i32
    %dma_start3A_115 = arith.constant 0 : i32
    %dma_start3A_116 = tpu.memref_slice %arg6[%dma_start3A_111, %dma_start3A_113, %dma_start3A_114, %dma_start3A_115] : memref<2x32x8x128xf32, #tpu.memory_space<vmem>> -> memref<1x32x8x128xf32, #tpu.memory_space<vmem>>
    %dma_start3A_117 = tpu.memref_squeeze %dma_start3A_116 : memref<1x32x8x128xf32, #tpu.memory_space<vmem>> -> memref<32x8x128xf32, #tpu.memory_space<vmem>>
    %dma_start3A_118 = arith.constant 0 : i32
    %dma_start3A_119 = arith.constant 0 : i32
    %dma_start3A_120 = tpu.memref_slice %arg2[%add3A_110, %dma_start3A_118, %dma_start3A_119] : memref<8192x8x128xf32, #tpu.memory_space<hbm>> -> memref<32x8x128xf32, #tpu.memory_space<hbm>>
    %dma_start3A_121 = tpu.memref_slice %arg8[%dma_start3A_112] : memref<2x!tpu.dma_semaphore, #tpu.memory_space<semaphore_mem>> -> memref<1x!tpu.dma_semaphore, #tpu.memory_space<semaphore_mem>>
    %dma_start3A_122 = tpu.memref_squeeze %dma_start3A_121 : memref<1x!tpu.dma_semaphore, #tpu.memory_space<semaphore_mem>> -> memref<!tpu.dma_semaphore, #tpu.memory_space<semaphore_mem>>
    %dma_start3A_123 = arith.constant 0 : i32
    %dma_start3A_124 = arith.constant 0 : i32
    %dma_start3A_125 = arith.constant 0 : i32
    %dma_start3A_126 = tpu.memref_slice %arg6[%dma_start3A_111, %dma_start3A_123, %dma_start3A_124, %dma_start3A_125] : memref<2x32x8x128xf32, #tpu.memory_space<vmem>> -> memref<1x32x8x128xf32, #tpu.memory_space<vmem>>
    %dma_start3A_127 = tpu.memref_squeeze %dma_start3A_126 : memref<1x32x8x128xf32, #tpu.memory_space<vmem>> -> memref<32x8x128xf32, #tpu.memory_space<vmem>>
    %dma_start3A_128 = arith.constant 0 : i32
    %dma_start3A_129 = arith.constant 0 : i32
    %dma_start3A_130 = tpu.memref_slice %arg2[%add3A_110, %dma_start3A_128, %dma_start3A_129] : memref<8192x8x128xf32, #tpu.memory_space<hbm>> -> memref<32x8x128xf32, #tpu.memory_space<hbm>>
    tpu.enqueue_dma source(%dma_start3A_130 : memref<32x8x128xf32, #tpu.memory_space<hbm>>) target(%dma_start3A_127 : memref<32x8x128xf32, #tpu.memory_space<vmem>>) target_semaphore(%dma_start3A_122 : memref<!tpu.dma_semaphore, #tpu.memory_space<semaphore_mem>>)
    %dma_wait3A_131 = arith.constant 1 : i32
    %dma_wait3A_132 = arith.constant 1 : i32
    %dma_wait3A_133 = arith.constant 0 : i32
    %dma_wait3A_134 = arith.constant 0 : i32
    %dma_wait3A_135 = arith.constant 0 : i32
    %dma_wait3A_136 = tpu.memref_slice %arg6[%dma_wait3A_131, %dma_wait3A_133, %dma_wait3A_134, %dma_wait3A_135] : memref<2x32x8x128xf32, #tpu.memory_space<vmem>> -> memref<1x32x8x128xf32, #tpu.memory_space<vmem>>
    %dma_wait3A_137 = tpu.memref_squeeze %dma_wait3A_136 : memref<1x32x8x128xf32, #tpu.memory_space<vmem>> -> memref<32x8x128xf32, #tpu.memory_space<vmem>>
    %dma_wait3A_138 = arith.constant 0 : i32
    %dma_wait3A_139 = arith.constant 0 : i32
    %dma_wait3A_140 = tpu.memref_slice %arg2[%add3A_27, %dma_wait3A_138, %dma_wait3A_139] : memref<8192x8x128xf32, #tpu.memory_space<hbm>> -> memref<32x8x128xf32, #tpu.memory_space<hbm>>
    %dma_wait3A_141 = tpu.memref_slice %arg8[%dma_wait3A_132] : memref<2x!tpu.dma_semaphore, #tpu.memory_space<semaphore_mem>> -> memref<1x!tpu.dma_semaphore, #tpu.memory_space<semaphore_mem>>
    %dma_wait3A_142 = tpu.memref_squeeze %dma_wait3A_141 : memref<1x!tpu.dma_semaphore, #tpu.memory_space<semaphore_mem>> -> memref<!tpu.dma_semaphore, #tpu.memory_space<semaphore_mem>>
    %dma_wait3A_143 = arith.constant 0 : i32
    %dma_wait3A_144 = arith.constant 0 : i32
    %dma_wait3A_145 = arith.constant 0 : i32
    %dma_wait3A_146 = tpu.memref_slice %arg6[%dma_wait3A_131, %dma_wait3A_143, %dma_wait3A_144, %dma_wait3A_145] : memref<2x32x8x128xf32, #tpu.memory_space<vmem>> -> memref<1x32x8x128xf32, #tpu.memory_space<vmem>>
    %dma_wait3A_147 = tpu.memref_squeeze %dma_wait3A_146 : memref<1x32x8x128xf32, #tpu.memory_space<vmem>> -> memref<32x8x128xf32, #tpu.memory_space<vmem>>
    %dma_wait3A_148 = arith.constant 0 : i32
    %dma_wait3A_149 = arith.constant 0 : i32
    %dma_wait3A_150 = tpu.memref_slice %arg2[%add3A_27, %dma_wait3A_148, %dma_wait3A_149] : memref<8192x8x128xf32, #tpu.memory_space<hbm>> -> memref<32x8x128xf32, #tpu.memory_space<hbm>>
    tpu.wait_dma2 semaphore(%dma_wait3A_142 : memref<!tpu.dma_semaphore, #tpu.memory_space<semaphore_mem>>) src(%dma_wait3A_150 : memref<32x8x128xf32, #tpu.memory_space<hbm>>) dst(%dma_wait3A_147 : memref<32x8x128xf32, #tpu.memory_space<vmem>>)
    %add3A_151 = arith.constant 32 : i32
    %add3A_152 = arith.addi %mul3A_2, %add3A_151 : i32
    %dma_start3A_153 = arith.constant 1 : i32
    %dma_start3A_154 = arith.constant 1 : i32
    %dma_start3A_155 = arith.constant 0 : i32
    %dma_start3A_156 = arith.constant 0 : i32
    %dma_start3A_157 = arith.constant 0 : i32
    %dma_start3A_158 = tpu.memref_slice %arg6[%dma_start3A_153, %dma_start3A_155, %dma_start3A_156, %dma_start3A_157] : memref<2x32x8x128xf32, #tpu.memory_space<vmem>> -> memref<1x32x8x128xf32, #tpu.memory_space<vmem>>
    %dma_start3A_159 = tpu.memref_squeeze %dma_start3A_158 : memref<1x32x8x128xf32, #tpu.memory_space<vmem>> -> memref<32x8x128xf32, #tpu.memory_space<vmem>>
    %dma_start3A_160 = arith.constant 0 : i32
    %dma_start3A_161 = arith.constant 0 : i32
    %dma_start3A_162 = tpu.memref_slice %arg5[%add3A_152, %dma_start3A_160, %dma_start3A_161] : memref<8192x8x128xf32, #tpu.memory_space<hbm>> -> memref<32x8x128xf32, #tpu.memory_space<hbm>>
    %dma_start3A_163 = tpu.memref_slice %arg9[%dma_start3A_154] : memref<2x!tpu.dma_semaphore, #tpu.memory_space<semaphore_mem>> -> memref<1x!tpu.dma_semaphore, #tpu.memory_space<semaphore_mem>>
    %dma_start3A_164 = tpu.memref_squeeze %dma_start3A_163 : memref<1x!tpu.dma_semaphore, #tpu.memory_space<semaphore_mem>> -> memref<!tpu.dma_semaphore, #tpu.memory_space<semaphore_mem>>
    %dma_start3A_165 = arith.constant 0 : i32
    %dma_start3A_166 = arith.constant 0 : i32
    %dma_start3A_167 = tpu.memref_slice %arg5[%add3A_152, %dma_start3A_165, %dma_start3A_166] : memref<8192x8x128xf32, #tpu.memory_space<hbm>> -> memref<32x8x128xf32, #tpu.memory_space<hbm>>
    %dma_start3A_168 = arith.constant 0 : i32
    %dma_start3A_169 = arith.constant 0 : i32
    %dma_start3A_170 = arith.constant 0 : i32
    %dma_start3A_171 = tpu.memref_slice %arg6[%dma_start3A_153, %dma_start3A_168, %dma_start3A_169, %dma_start3A_170] : memref<2x32x8x128xf32, #tpu.memory_space<vmem>> -> memref<1x32x8x128xf32, #tpu.memory_space<vmem>>
    %dma_start3A_172 = tpu.memref_squeeze %dma_start3A_171 : memref<1x32x8x128xf32, #tpu.memory_space<vmem>> -> memref<32x8x128xf32, #tpu.memory_space<vmem>>
    tpu.enqueue_dma source(%dma_start3A_172 : memref<32x8x128xf32, #tpu.memory_space<vmem>>) target(%dma_start3A_167 : memref<32x8x128xf32, #tpu.memory_space<hbm>>) target_semaphore(%dma_start3A_164 : memref<!tpu.dma_semaphore, #tpu.memory_space<semaphore_mem>>)
    %dma_wait3A_173 = arith.constant 1 : i32
    %dma_wait3A_174 = arith.constant 1 : i32
    %dma_wait3A_175 = arith.constant 0 : i32
    %dma_wait3A_176 = arith.constant 0 : i32
    %dma_wait3A_177 = arith.constant 0 : i32
    %dma_wait3A_178 = tpu.memref_slice %arg6[%dma_wait3A_173, %dma_wait3A_175, %dma_wait3A_176, %dma_wait3A_177] : memref<2x32x8x128xf32, #tpu.memory_space<vmem>> -> memref<1x32x8x128xf32, #tpu.memory_space<vmem>>
    %dma_wait3A_179 = tpu.memref_squeeze %dma_wait3A_178 : memref<1x32x8x128xf32, #tpu.memory_space<vmem>> -> memref<32x8x128xf32, #tpu.memory_space<vmem>>
    %dma_wait3A_180 = arith.constant 0 : i32
    %dma_wait3A_181 = arith.constant 0 : i32
    %dma_wait3A_182 = tpu.memref_slice %arg5[%add3A_152, %dma_wait3A_180, %dma_wait3A_181] : memref<8192x8x128xf32, #tpu.memory_space<hbm>> -> memref<32x8x128xf32, #tpu.memory_space<hbm>>
    %dma_wait3A_183 = tpu.memref_slice %arg9[%dma_wait3A_174] : memref<2x!tpu.dma_semaphore, #tpu.memory_space<semaphore_mem>> -> memref<1x!tpu.dma_semaphore, #tpu.memory_space<semaphore_mem>>
    %dma_wait3A_184 = tpu.memref_squeeze %dma_wait3A_183 : memref<1x!tpu.dma_semaphore, #tpu.memory_space<semaphore_mem>> -> memref<!tpu.dma_semaphore, #tpu.memory_space<semaphore_mem>>
    %dma_wait3A_185 = arith.constant 0 : i32
    %dma_wait3A_186 = arith.constant 0 : i32
    %dma_wait3A_187 = tpu.memref_slice %arg5[%add3A_152, %dma_wait3A_185, %dma_wait3A_186] : memref<8192x8x128xf32, #tpu.memory_space<hbm>> -> memref<32x8x128xf32, #tpu.memory_space<hbm>>
    %dma_wait3A_188 = arith.constant 0 : i32
    %dma_wait3A_189 = arith.constant 0 : i32
    %dma_wait3A_190 = arith.constant 0 : i32
    %dma_wait3A_191 = tpu.memref_slice %arg6[%dma_wait3A_173, %dma_wait3A_188, %dma_wait3A_189, %dma_wait3A_190] : memref<2x32x8x128xf32, #tpu.memory_space<vmem>> -> memref<1x32x8x128xf32, #tpu.memory_space<vmem>>
    %dma_wait3A_192 = tpu.memref_squeeze %dma_wait3A_191 : memref<1x32x8x128xf32, #tpu.memory_space<vmem>> -> memref<32x8x128xf32, #tpu.memory_space<vmem>>
    tpu.wait_dma2 semaphore(%dma_wait3A_184 : memref<!tpu.dma_semaphore, #tpu.memory_space<semaphore_mem>>) src(%dma_wait3A_192 : memref<32x8x128xf32, #tpu.memory_space<vmem>>) dst(%dma_wait3A_187 : memref<32x8x128xf32, #tpu.memory_space<hbm>>)
    %add3A_193 = arith.constant 96 : i32
    %add3A_194 = arith.addi %mul3A_2, %add3A_193 : i32
    %dma_start3A_195 = arith.constant 1 : i32
    %dma_start3A_196 = arith.constant 1 : i32
    %dma_start3A_197 = arith.constant 0 : i32
    %dma_start3A_198 = arith.constant 0 : i32
    %dma_start3A_199 = arith.constant 0 : i32
    %dma_start3A_200 = tpu.memref_slice %arg6[%dma_start3A_195, %dma_start3A_197, %dma_start3A_198, %dma_start3A_199] : memref<2x32x8x128xf32, #tpu.memory_space<vmem>> -> memref<1x32x8x128xf32, #tpu.memory_space<vmem>>
    %dma_start3A_201 = tpu.memref_squeeze %dma_start3A_200 : memref<1x32x8x128xf32, #tpu.memory_space<vmem>> -> memref<32x8x128xf32, #tpu.memory_space<vmem>>
    %dma_start3A_202 = arith.constant 0 : i32
    %dma_start3A_203 = arith.constant 0 : i32
    %dma_start3A_204 = tpu.memref_slice %arg2[%add3A_194, %dma_start3A_202, %dma_start3A_203] : memref<8192x8x128xf32, #tpu.memory_space<hbm>> -> memref<32x8x128xf32, #tpu.memory_space<hbm>>
    %dma_start3A_205 = tpu.memref_slice %arg8[%dma_start3A_196] : memref<2x!tpu.dma_semaphore, #tpu.memory_space<semaphore_mem>> -> memref<1x!tpu.dma_semaphore, #tpu.memory_space<semaphore_mem>>
    %dma_start3A_206 = tpu.memref_squeeze %dma_start3A_205 : memref<1x!tpu.dma_semaphore, #tpu.memory_space<semaphore_mem>> -> memref<!tpu.dma_semaphore, #tpu.memory_space<semaphore_mem>>
    %dma_start3A_207 = arith.constant 0 : i32
    %dma_start3A_208 = arith.constant 0 : i32
    %dma_start3A_209 = arith.constant 0 : i32
    %dma_start3A_210 = tpu.memref_slice %arg6[%dma_start3A_195, %dma_start3A_207, %dma_start3A_208, %dma_start3A_209] : memref<2x32x8x128xf32, #tpu.memory_space<vmem>> -> memref<1x32x8x128xf32, #tpu.memory_space<vmem>>
    %dma_start3A_211 = tpu.memref_squeeze %dma_start3A_210 : memref<1x32x8x128xf32, #tpu.memory_space<vmem>> -> memref<32x8x128xf32, #tpu.memory_space<vmem>>
    %dma_start3A_212 = arith.constant 0 : i32
    %dma_start3A_213 = arith.constant 0 : i32
    %dma_start3A_214 = tpu.memref_slice %arg2[%add3A_194, %dma_start3A_212, %dma_start3A_213] : memref<8192x8x128xf32, #tpu.memory_space<hbm>> -> memref<32x8x128xf32, #tpu.memory_space<hbm>>
    tpu.enqueue_dma source(%dma_start3A_214 : memref<32x8x128xf32, #tpu.memory_space<hbm>>) target(%dma_start3A_211 : memref<32x8x128xf32, #tpu.memory_space<vmem>>) target_semaphore(%dma_start3A_206 : memref<!tpu.dma_semaphore, #tpu.memory_space<semaphore_mem>>)
    %dma_wait3A_215 = arith.constant 0 : i32
    %dma_wait3A_216 = arith.constant 0 : i32
    %dma_wait3A_217 = arith.constant 0 : i32
    %dma_wait3A_218 = arith.constant 0 : i32
    %dma_wait3A_219 = arith.constant 0 : i32
    %dma_wait3A_220 = tpu.memref_slice %arg6[%dma_wait3A_215, %dma_wait3A_217, %dma_wait3A_218, %dma_wait3A_219] : memref<2x32x8x128xf32, #tpu.memory_space<vmem>> -> memref<1x32x8x128xf32, #tpu.memory_space<vmem>>
    %dma_wait3A_221 = tpu.memref_squeeze %dma_wait3A_220 : memref<1x32x8x128xf32, #tpu.memory_space<vmem>> -> memref<32x8x128xf32, #tpu.memory_space<vmem>>
    %dma_wait3A_222 = arith.constant 0 : i32
    %dma_wait3A_223 = arith.constant 0 : i32
    %dma_wait3A_224 = tpu.memref_slice %arg2[%add3A_110, %dma_wait3A_222, %dma_wait3A_223] : memref<8192x8x128xf32, #tpu.memory_space<hbm>> -> memref<32x8x128xf32, #tpu.memory_space<hbm>>
    %dma_wait3A_225 = tpu.memref_slice %arg8[%dma_wait3A_216] : memref<2x!tpu.dma_semaphore, #tpu.memory_space<semaphore_mem>> -> memref<1x!tpu.dma_semaphore, #tpu.memory_space<semaphore_mem>>
    %dma_wait3A_226 = tpu.memref_squeeze %dma_wait3A_225 : memref<1x!tpu.dma_semaphore, #tpu.memory_space<semaphore_mem>> -> memref<!tpu.dma_semaphore, #tpu.memory_space<semaphore_mem>>
    %dma_wait3A_227 = arith.constant 0 : i32
    %dma_wait3A_228 = arith.constant 0 : i32
    %dma_wait3A_229 = arith.constant 0 : i32
    %dma_wait3A_230 = tpu.memref_slice %arg6[%dma_wait3A_215, %dma_wait3A_227, %dma_wait3A_228, %dma_wait3A_229] : memref<2x32x8x128xf32, #tpu.memory_space<vmem>> -> memref<1x32x8x128xf32, #tpu.memory_space<vmem>>
    %dma_wait3A_231 = tpu.memref_squeeze %dma_wait3A_230 : memref<1x32x8x128xf32, #tpu.memory_space<vmem>> -> memref<32x8x128xf32, #tpu.memory_space<vmem>>
    %dma_wait3A_232 = arith.constant 0 : i32
    %dma_wait3A_233 = arith.constant 0 : i32
    %dma_wait3A_234 = tpu.memref_slice %arg2[%add3A_110, %dma_wait3A_232, %dma_wait3A_233] : memref<8192x8x128xf32, #tpu.memory_space<hbm>> -> memref<32x8x128xf32, #tpu.memory_space<hbm>>
    tpu.wait_dma2 semaphore(%dma_wait3A_226 : memref<!tpu.dma_semaphore, #tpu.memory_space<semaphore_mem>>) src(%dma_wait3A_234 : memref<32x8x128xf32, #tpu.memory_space<hbm>>) dst(%dma_wait3A_231 : memref<32x8x128xf32, #tpu.memory_space<vmem>>)
    %add3A_235 = arith.constant 64 : i32
    %add3A_236 = arith.addi %mul3A_2, %add3A_235 : i32
    %dma_start3A_237 = arith.constant 0 : i32
    %dma_start3A_238 = arith.constant 0 : i32
    %dma_start3A_239 = arith.constant 0 : i32
    %dma_start3A_240 = arith.constant 0 : i32
    %dma_start3A_241 = arith.constant 0 : i32
    %dma_start3A_242 = tpu.memref_slice %arg6[%dma_start3A_237, %dma_start3A_239, %dma_start3A_240, %dma_start3A_241] : memref<2x32x8x128xf32, #tpu.memory_space<vmem>> -> memref<1x32x8x128xf32, #tpu.memory_space<vmem>>
    %dma_start3A_243 = tpu.memref_squeeze %dma_start3A_242 : memref<1x32x8x128xf32, #tpu.memory_space<vmem>> -> memref<32x8x128xf32, #tpu.memory_space<vmem>>
    %dma_start3A_244 = arith.constant 0 : i32
    %dma_start3A_245 = arith.constant 0 : i32
    %dma_start3A_246 = tpu.memref_slice %arg5[%add3A_236, %dma_start3A_244, %dma_start3A_245] : memref<8192x8x128xf32, #tpu.memory_space<hbm>> -> memref<32x8x128xf32, #tpu.memory_space<hbm>>
    %dma_start3A_247 = tpu.memref_slice %arg9[%dma_start3A_238] : memref<2x!tpu.dma_semaphore, #tpu.memory_space<semaphore_mem>> -> memref<1x!tpu.dma_semaphore, #tpu.memory_space<semaphore_mem>>
    %dma_start3A_248 = tpu.memref_squeeze %dma_start3A_247 : memref<1x!tpu.dma_semaphore, #tpu.memory_space<semaphore_mem>> -> memref<!tpu.dma_semaphore, #tpu.memory_space<semaphore_mem>>
    %dma_start3A_249 = arith.constant 0 : i32
    %dma_start3A_250 = arith.constant 0 : i32
    %dma_start3A_251 = tpu.memref_slice %arg5[%add3A_236, %dma_start3A_249, %dma_start3A_250] : memref<8192x8x128xf32, #tpu.memory_space<hbm>> -> memref<32x8x128xf32, #tpu.memory_space<hbm>>
    %dma_start3A_252 = arith.constant 0 : i32
    %dma_start3A_253 = arith.constant 0 : i32
    %dma_start3A_254 = arith.constant 0 : i32
    %dma_start3A_255 = tpu.memref_slice %arg6[%dma_start3A_237, %dma_start3A_252, %dma_start3A_253, %dma_start3A_254] : memref<2x32x8x128xf32, #tpu.memory_space<vmem>> -> memref<1x32x8x128xf32, #tpu.memory_space<vmem>>
    %dma_start3A_256 = tpu.memref_squeeze %dma_start3A_255 : memref<1x32x8x128xf32, #tpu.memory_space<vmem>> -> memref<32x8x128xf32, #tpu.memory_space<vmem>>
    tpu.enqueue_dma source(%dma_start3A_256 : memref<32x8x128xf32, #tpu.memory_space<vmem>>) target(%dma_start3A_251 : memref<32x8x128xf32, #tpu.memory_space<hbm>>) target_semaphore(%dma_start3A_248 : memref<!tpu.dma_semaphore, #tpu.memory_space<semaphore_mem>>)
    %dma_wait3A_257 = arith.constant 0 : i32
    %dma_wait3A_258 = arith.constant 0 : i32
    %dma_wait3A_259 = arith.constant 0 : i32
    %dma_wait3A_260 = arith.constant 0 : i32
    %dma_wait3A_261 = arith.constant 0 : i32
    %dma_wait3A_262 = tpu.memref_slice %arg6[%dma_wait3A_257, %dma_wait3A_259, %dma_wait3A_260, %dma_wait3A_261] : memref<2x32x8x128xf32, #tpu.memory_space<vmem>> -> memref<1x32x8x128xf32, #tpu.memory_space<vmem>>
    %dma_wait3A_263 = tpu.memref_squeeze %dma_wait3A_262 : memref<1x32x8x128xf32, #tpu.memory_space<vmem>> -> memref<32x8x128xf32, #tpu.memory_space<vmem>>
    %dma_wait3A_264 = arith.constant 0 : i32
    %dma_wait3A_265 = arith.constant 0 : i32
    %dma_wait3A_266 = tpu.memref_slice %arg5[%add3A_236, %dma_wait3A_264, %dma_wait3A_265] : memref<8192x8x128xf32, #tpu.memory_space<hbm>> -> memref<32x8x128xf32, #tpu.memory_space<hbm>>
    %dma_wait3A_267 = tpu.memref_slice %arg9[%dma_wait3A_258] : memref<2x!tpu.dma_semaphore, #tpu.memory_space<semaphore_mem>> -> memref<1x!tpu.dma_semaphore, #tpu.memory_space<semaphore_mem>>
    %dma_wait3A_268 = tpu.memref_squeeze %dma_wait3A_267 : memref<1x!tpu.dma_semaphore, #tpu.memory_space<semaphore_mem>> -> memref<!tpu.dma_semaphore, #tpu.memory_space<semaphore_mem>>
    %dma_wait3A_269 = arith.constant 0 : i32
    %dma_wait3A_270 = arith.constant 0 : i32
    %dma_wait3A_271 = tpu.memref_slice %arg5[%add3A_236, %dma_wait3A_269, %dma_wait3A_270] : memref<8192x8x128xf32, #tpu.memory_space<hbm>> -> memref<32x8x128xf32, #tpu.memory_space<hbm>>
    %dma_wait3A_272 = arith.constant 0 : i32
    %dma_wait3A_273 = arith.constant 0 : i32
    %dma_wait3A_274 = arith.constant 0 : i32
    %dma_wait3A_275 = tpu.memref_slice %arg6[%dma_wait3A_257, %dma_wait3A_272, %dma_wait3A_273, %dma_wait3A_274] : memref<2x32x8x128xf32, #tpu.memory_space<vmem>> -> memref<1x32x8x128xf32, #tpu.memory_space<vmem>>
    %dma_wait3A_276 = tpu.memref_squeeze %dma_wait3A_275 : memref<1x32x8x128xf32, #tpu.memory_space<vmem>> -> memref<32x8x128xf32, #tpu.memory_space<vmem>>
    tpu.wait_dma2 semaphore(%dma_wait3A_268 : memref<!tpu.dma_semaphore, #tpu.memory_space<semaphore_mem>>) src(%dma_wait3A_276 : memref<32x8x128xf32, #tpu.memory_space<vmem>>) dst(%dma_wait3A_271 : memref<32x8x128xf32, #tpu.memory_space<hbm>>)
    %add3A_277 = arith.constant 128 : i32
    %add3A_278 = arith.addi %mul3A_2, %add3A_277 : i32
    %dma_start3A_279 = arith.constant 0 : i32
    %dma_start3A_280 = arith.constant 0 : i32
    %dma_start3A_281 = arith.constant 0 : i32
    %dma_start3A_282 = arith.constant 0 : i32
    %dma_start3A_283 = arith.constant 0 : i32
    %dma_start3A_284 = tpu.memref_slice %arg6[%dma_start3A_279, %dma_start3A_281, %dma_start3A_282, %dma_start3A_283] : memref<2x32x8x128xf32, #tpu.memory_space<vmem>> -> memref<1x32x8x128xf32, #tpu.memory_space<vmem>>
    %dma_start3A_285 = tpu.memref_squeeze %dma_start3A_284 : memref<1x32x8x128xf32, #tpu.memory_space<vmem>> -> memref<32x8x128xf32, #tpu.memory_space<vmem>>
    %dma_start3A_286 = arith.constant 0 : i32
    %dma_start3A_287 = arith.constant 0 : i32
    %dma_start3A_288 = tpu.memref_slice %arg2[%add3A_278, %dma_start3A_286, %dma_start3A_287] : memref<8192x8x128xf32, #tpu.memory_space<hbm>> -> memref<32x8x128xf32, #tpu.memory_space<hbm>>
    %dma_start3A_289 = tpu.memref_slice %arg8[%dma_start3A_280] : memref<2x!tpu.dma_semaphore, #tpu.memory_space<semaphore_mem>> -> memref<1x!tpu.dma_semaphore, #tpu.memory_space<semaphore_mem>>
    %dma_start3A_290 = tpu.memref_squeeze %dma_start3A_289 : memref<1x!tpu.dma_semaphore, #tpu.memory_space<semaphore_mem>> -> memref<!tpu.dma_semaphore, #tpu.memory_space<semaphore_mem>>
    %dma_start3A_291 = arith.constant 0 : i32
    %dma_start3A_292 = arith.constant 0 : i32
    %dma_start3A_293 = arith.constant 0 : i32
    %dma_start3A_294 = tpu.memref_slice %arg6[%dma_start3A_279, %dma_start3A_291, %dma_start3A_292, %dma_start3A_293] : memref<2x32x8x128xf32, #tpu.memory_space<vmem>> -> memref<1x32x8x128xf32, #tpu.memory_space<vmem>>
    %dma_start3A_295 = tpu.memref_squeeze %dma_start3A_294 : memref<1x32x8x128xf32, #tpu.memory_space<vmem>> -> memref<32x8x128xf32, #tpu.memory_space<vmem>>
    %dma_start3A_296 = arith.constant 0 : i32
    %dma_start3A_297 = arith.constant 0 : i32
    %dma_start3A_298 = tpu.memref_slice %arg2[%add3A_278, %dma_start3A_296, %dma_start3A_297] : memref<8192x8x128xf32, #tpu.memory_space<hbm>> -> memref<32x8x128xf32, #tpu.memory_space<hbm>>
    tpu.enqueue_dma source(%dma_start3A_298 : memref<32x8x128xf32, #tpu.memory_space<hbm>>) target(%dma_start3A_295 : memref<32x8x128xf32, #tpu.memory_space<vmem>>) target_semaphore(%dma_start3A_290 : memref<!tpu.dma_semaphore, #tpu.memory_space<semaphore_mem>>)
    %dma_wait3A_299 = arith.constant 1 : i32
    %dma_wait3A_300 = arith.constant 1 : i32
    %dma_wait3A_301 = arith.constant 0 : i32
    %dma_wait3A_302 = arith.constant 0 : i32
    %dma_wait3A_303 = arith.constant 0 : i32
    %dma_wait3A_304 = tpu.memref_slice %arg6[%dma_wait3A_299, %dma_wait3A_301, %dma_wait3A_302, %dma_wait3A_303] : memref<2x32x8x128xf32, #tpu.memory_space<vmem>> -> memref<1x32x8x128xf32, #tpu.memory_space<vmem>>
    %dma_wait3A_305 = tpu.memref_squeeze %dma_wait3A_304 : memref<1x32x8x128xf32, #tpu.memory_space<vmem>> -> memref<32x8x128xf32, #tpu.memory_space<vmem>>
    %dma_wait3A_306 = arith.constant 0 : i32
    %dma_wait3A_307 = arith.constant 0 : i32
    %dma_wait3A_308 = tpu.memref_slice %arg2[%add3A_194, %dma_wait3A_306, %dma_wait3A_307] : memref<8192x8x128xf32, #tpu.memory_space<hbm>> -> memref<32x8x128xf32, #tpu.memory_space<hbm>>
    %dma_wait3A_309 = tpu.memref_slice %arg8[%dma_wait3A_300] : memref<2x!tpu.dma_semaphore, #tpu.memory_space<semaphore_mem>> -> memref<1x!tpu.dma_semaphore, #tpu.memory_space<semaphore_mem>>
    %dma_wait3A_310 = tpu.memref_squeeze %dma_wait3A_309 : memref<1x!tpu.dma_semaphore, #tpu.memory_space<semaphore_mem>> -> memref<!tpu.dma_semaphore, #tpu.memory_space<semaphore_mem>>
    %dma_wait3A_311 = arith.constant 0 : i32
    %dma_wait3A_312 = arith.constant 0 : i32
    %dma_wait3A_313 = arith.constant 0 : i32
    %dma_wait3A_314 = tpu.memref_slice %arg6[%dma_wait3A_299, %dma_wait3A_311, %dma_wait3A_312, %dma_wait3A_313] : memref<2x32x8x128xf32, #tpu.memory_space<vmem>> -> memref<1x32x8x128xf32, #tpu.memory_space<vmem>>
    %dma_wait3A_315 = tpu.memref_squeeze %dma_wait3A_314 : memref<1x32x8x128xf32, #tpu.memory_space<vmem>> -> memref<32x8x128xf32, #tpu.memory_space<vmem>>
    %dma_wait3A_316 = arith.constant 0 : i32
    %dma_wait3A_317 = arith.constant 0 : i32
    %dma_wait3A_318 = tpu.memref_slice %arg2[%add3A_194, %dma_wait3A_316, %dma_wait3A_317] : memref<8192x8x128xf32, #tpu.memory_space<hbm>> -> memref<32x8x128xf32, #tpu.memory_space<hbm>>
    tpu.wait_dma2 semaphore(%dma_wait3A_310 : memref<!tpu.dma_semaphore, #tpu.memory_space<semaphore_mem>>) src(%dma_wait3A_318 : memref<32x8x128xf32, #tpu.memory_space<hbm>>) dst(%dma_wait3A_315 : memref<32x8x128xf32, #tpu.memory_space<vmem>>)
    %add3A_319 = arith.constant 96 : i32
    %add3A_320 = arith.addi %mul3A_2, %add3A_319 : i32
    %dma_start3A_321 = arith.constant 1 : i32
    %dma_start3A_322 = arith.constant 1 : i32
    %dma_start3A_323 = arith.constant 0 : i32
    %dma_start3A_324 = arith.constant 0 : i32
    %dma_start3A_325 = arith.constant 0 : i32
    %dma_start3A_326 = tpu.memref_slice %arg6[%dma_start3A_321, %dma_start3A_323, %dma_start3A_324, %dma_start3A_325] : memref<2x32x8x128xf32, #tpu.memory_space<vmem>> -> memref<1x32x8x128xf32, #tpu.memory_space<vmem>>
    %dma_start3A_327 = tpu.memref_squeeze %dma_start3A_326 : memref<1x32x8x128xf32, #tpu.memory_space<vmem>> -> memref<32x8x128xf32, #tpu.memory_space<vmem>>
    %dma_start3A_328 = arith.constant 0 : i32
    %dma_start3A_329 = arith.constant 0 : i32
    %dma_start3A_330 = tpu.memref_slice %arg5[%add3A_320, %dma_start3A_328, %dma_start3A_329] : memref<8192x8x128xf32, #tpu.memory_space<hbm>> -> memref<32x8x128xf32, #tpu.memory_space<hbm>>
    %dma_start3A_331 = tpu.memref_slice %arg9[%dma_start3A_322] : memref<2x!tpu.dma_semaphore, #tpu.memory_space<semaphore_mem>> -> memref<1x!tpu.dma_semaphore, #tpu.memory_space<semaphore_mem>>
    %dma_start3A_332 = tpu.memref_squeeze %dma_start3A_331 : memref<1x!tpu.dma_semaphore, #tpu.memory_space<semaphore_mem>> -> memref<!tpu.dma_semaphore, #tpu.memory_space<semaphore_mem>>
    %dma_start3A_333 = arith.constant 0 : i32
    %dma_start3A_334 = arith.constant 0 : i32
    %dma_start3A_335 = tpu.memref_slice %arg5[%add3A_320, %dma_start3A_333, %dma_start3A_334] : memref<8192x8x128xf32, #tpu.memory_space<hbm>> -> memref<32x8x128xf32, #tpu.memory_space<hbm>>
    %dma_start3A_336 = arith.constant 0 : i32
    %dma_start3A_337 = arith.constant 0 : i32
    %dma_start3A_338 = arith.constant 0 : i32
    %dma_start3A_339 = tpu.memref_slice %arg6[%dma_start3A_321, %dma_start3A_336, %dma_start3A_337, %dma_start3A_338] : memref<2x32x8x128xf32, #tpu.memory_space<vmem>> -> memref<1x32x8x128xf32, #tpu.memory_space<vmem>>
    %dma_start3A_340 = tpu.memref_squeeze %dma_start3A_339 : memref<1x32x8x128xf32, #tpu.memory_space<vmem>> -> memref<32x8x128xf32, #tpu.memory_space<vmem>>
    tpu.enqueue_dma source(%dma_start3A_340 : memref<32x8x128xf32, #tpu.memory_space<vmem>>) target(%dma_start3A_335 : memref<32x8x128xf32, #tpu.memory_space<hbm>>) target_semaphore(%dma_start3A_332 : memref<!tpu.dma_semaphore, #tpu.memory_space<semaphore_mem>>)
    %dma_wait3A_341 = arith.constant 1 : i32
    %dma_wait3A_342 = arith.constant 1 : i32
    %dma_wait3A_343 = arith.constant 0 : i32
    %dma_wait3A_344 = arith.constant 0 : i32
    %dma_wait3A_345 = arith.constant 0 : i32
    %dma_wait3A_346 = tpu.memref_slice %arg6[%dma_wait3A_341, %dma_wait3A_343, %dma_wait3A_344, %dma_wait3A_345] : memref<2x32x8x128xf32, #tpu.memory_space<vmem>> -> memref<1x32x8x128xf32, #tpu.memory_space<vmem>>
    %dma_wait3A_347 = tpu.memref_squeeze %dma_wait3A_346 : memref<1x32x8x128xf32, #tpu.memory_space<vmem>> -> memref<32x8x128xf32, #tpu.memory_space<vmem>>
    %dma_wait3A_348 = arith.constant 0 : i32
    %dma_wait3A_349 = arith.constant 0 : i32
    %dma_wait3A_350 = tpu.memref_slice %arg5[%add3A_320, %dma_wait3A_348, %dma_wait3A_349] : memref<8192x8x128xf32, #tpu.memory_space<hbm>> -> memref<32x8x128xf32, #tpu.memory_space<hbm>>
    %dma_wait3A_351 = tpu.memref_slice %arg9[%dma_wait3A_342] : memref<2x!tpu.dma_semaphore, #tpu.memory_space<semaphore_mem>> -> memref<1x!tpu.dma_semaphore, #tpu.memory_space<semaphore_mem>>
    %dma_wait3A_352 = tpu.memref_squeeze %dma_wait3A_351 : memref<1x!tpu.dma_semaphore, #tpu.memory_space<semaphore_mem>> -> memref<!tpu.dma_semaphore, #tpu.memory_space<semaphore_mem>>
    %dma_wait3A_353 = arith.constant 0 : i32
    %dma_wait3A_354 = arith.constant 0 : i32
    %dma_wait3A_355 = tpu.memref_slice %arg5[%add3A_320, %dma_wait3A_353, %dma_wait3A_354] : memref<8192x8x128xf32, #tpu.memory_space<hbm>> -> memref<32x8x128xf32, #tpu.memory_space<hbm>>
    %dma_wait3A_356 = arith.constant 0 : i32
    %dma_wait3A_357 = arith.constant 0 : i32
    %dma_wait3A_358 = arith.constant 0 : i32
    %dma_wait3A_359 = tpu.memref_slice %arg6[%dma_wait3A_341, %dma_wait3A_356, %dma_wait3A_357, %dma_wait3A_358] : memref<2x32x8x128xf32, #tpu.memory_space<vmem>> -> memref<1x32x8x128xf32, #tpu.memory_space<vmem>>
    %dma_wait3A_360 = tpu.memref_squeeze %dma_wait3A_359 : memref<1x32x8x128xf32, #tpu.memory_space<vmem>> -> memref<32x8x128xf32, #tpu.memory_space<vmem>>
    tpu.wait_dma2 semaphore(%dma_wait3A_352 : memref<!tpu.dma_semaphore, #tpu.memory_space<semaphore_mem>>) src(%dma_wait3A_360 : memref<32x8x128xf32, #tpu.memory_space<vmem>>) dst(%dma_wait3A_355 : memref<32x8x128xf32, #tpu.memory_space<hbm>>)
    %add3A_361 = arith.constant 160 : i32
    %add3A_362 = arith.addi %mul3A_2, %add3A_361 : i32
    %dma_start3A_363 = arith.constant 1 : i32
    %dma_start3A_364 = arith.constant 1 : i32
    %dma_start3A_365 = arith.constant 0 : i32
    %dma_start3A_366 = arith.constant 0 : i32
    %dma_start3A_367 = arith.constant 0 : i32
    %dma_start3A_368 = tpu.memref_slice %arg6[%dma_start3A_363, %dma_start3A_365, %dma_start3A_366, %dma_start3A_367] : memref<2x32x8x128xf32, #tpu.memory_space<vmem>> -> memref<1x32x8x128xf32, #tpu.memory_space<vmem>>
    %dma_start3A_369 = tpu.memref_squeeze %dma_start3A_368 : memref<1x32x8x128xf32, #tpu.memory_space<vmem>> -> memref<32x8x128xf32, #tpu.memory_space<vmem>>
    %dma_start3A_370 = arith.constant 0 : i32
    %dma_start3A_371 = arith.constant 0 : i32
    %dma_start3A_372 = tpu.memref_slice %arg2[%add3A_362, %dma_start3A_370, %dma_start3A_371] : memref<8192x8x128xf32, #tpu.memory_space<hbm>> -> memref<32x8x128xf32, #tpu.memory_space<hbm>>
    %dma_start3A_373 = tpu.memref_slice %arg8[%dma_start3A_364] : memref<2x!tpu.dma_semaphore, #tpu.memory_space<semaphore_mem>> -> memref<1x!tpu.dma_semaphore, #tpu.memory_space<semaphore_mem>>
    %dma_start3A_374 = tpu.memref_squeeze %dma_start3A_373 : memref<1x!tpu.dma_semaphore, #tpu.memory_space<semaphore_mem>> -> memref<!tpu.dma_semaphore, #tpu.memory_space<semaphore_mem>>
    %dma_start3A_375 = arith.constant 0 : i32
    %dma_start3A_376 = arith.constant 0 : i32
    %dma_start3A_377 = arith.constant 0 : i32
    %dma_start3A_378 = tpu.memref_slice %arg6[%dma_start3A_363, %dma_start3A_375, %dma_start3A_376, %dma_start3A_377] : memref<2x32x8x128xf32, #tpu.memory_space<vmem>> -> memref<1x32x8x128xf32, #tpu.memory_space<vmem>>
    %dma_start3A_379 = tpu.memref_squeeze %dma_start3A_378 : memref<1x32x8x128xf32, #tpu.memory_space<vmem>> -> memref<32x8x128xf32, #tpu.memory_space<vmem>>
    %dma_start3A_380 = arith.constant 0 : i32
    %dma_start3A_381 = arith.constant 0 : i32
    %dma_start3A_382 = tpu.memref_slice %arg2[%add3A_362, %dma_start3A_380, %dma_start3A_381] : memref<8192x8x128xf32, #tpu.memory_space<hbm>> -> memref<32x8x128xf32, #tpu.memory_space<hbm>>
    tpu.enqueue_dma source(%dma_start3A_382 : memref<32x8x128xf32, #tpu.memory_space<hbm>>) target(%dma_start3A_379 : memref<32x8x128xf32, #tpu.memory_space<vmem>>) target_semaphore(%dma_start3A_374 : memref<!tpu.dma_semaphore, #tpu.memory_space<semaphore_mem>>)
    %dma_wait3A_383 = arith.constant 0 : i32
    %dma_wait3A_384 = arith.constant 0 : i32
    %dma_wait3A_385 = arith.constant 0 : i32
    %dma_wait3A_386 = arith.constant 0 : i32
    %dma_wait3A_387 = arith.constant 0 : i32
    %dma_wait3A_388 = tpu.memref_slice %arg6[%dma_wait3A_383, %dma_wait3A_385, %dma_wait3A_386, %dma_wait3A_387] : memref<2x32x8x128xf32, #tpu.memory_space<vmem>> -> memref<1x32x8x128xf32, #tpu.memory_space<vmem>>
    %dma_wait3A_389 = tpu.memref_squeeze %dma_wait3A_388 : memref<1x32x8x128xf32, #tpu.memory_space<vmem>> -> memref<32x8x128xf32, #tpu.memory_space<vmem>>
    %dma_wait3A_390 = arith.constant 0 : i32
    %dma_wait3A_391 = arith.constant 0 : i32
    %dma_wait3A_392 = tpu.memref_slice %arg2[%add3A_278, %dma_wait3A_390, %dma_wait3A_391] : memref<8192x8x128xf32, #tpu.memory_space<hbm>> -> memref<32x8x128xf32, #tpu.memory_space<hbm>>
    %dma_wait3A_393 = tpu.memref_slice %arg8[%dma_wait3A_384] : memref<2x!tpu.dma_semaphore, #tpu.memory_space<semaphore_mem>> -> memref<1x!tpu.dma_semaphore, #tpu.memory_space<semaphore_mem>>
    %dma_wait3A_394 = tpu.memref_squeeze %dma_wait3A_393 : memref<1x!tpu.dma_semaphore, #tpu.memory_space<semaphore_mem>> -> memref<!tpu.dma_semaphore, #tpu.memory_space<semaphore_mem>>
    %dma_wait3A_395 = arith.constant 0 : i32
    %dma_wait3A_396 = arith.constant 0 : i32
    %dma_wait3A_397 = arith.constant 0 : i32
    %dma_wait3A_398 = tpu.memref_slice %arg6[%dma_wait3A_383, %dma_wait3A_395, %dma_wait3A_396, %dma_wait3A_397] : memref<2x32x8x128xf32, #tpu.memory_space<vmem>> -> memref<1x32x8x128xf32, #tpu.memory_space<vmem>>
    %dma_wait3A_399 = tpu.memref_squeeze %dma_wait3A_398 : memref<1x32x8x128xf32, #tpu.memory_space<vmem>> -> memref<32x8x128xf32, #tpu.memory_space<vmem>>
    %dma_wait3A_400 = arith.constant 0 : i32
    %dma_wait3A_401 = arith.constant 0 : i32
    %dma_wait3A_402 = tpu.memref_slice %arg2[%add3A_278, %dma_wait3A_400, %dma_wait3A_401] : memref<8192x8x128xf32, #tpu.memory_space<hbm>> -> memref<32x8x128xf32, #tpu.memory_space<hbm>>
    tpu.wait_dma2 semaphore(%dma_wait3A_394 : memref<!tpu.dma_semaphore, #tpu.memory_space<semaphore_mem>>) src(%dma_wait3A_402 : memref<32x8x128xf32, #tpu.memory_space<hbm>>) dst(%dma_wait3A_399 : memref<32x8x128xf32, #tpu.memory_space<vmem>>)
    %add3A_403 = arith.constant 128 : i32
    %add3A_404 = arith.addi %mul3A_2, %add3A_403 : i32
    %dma_start3A_405 = arith.constant 0 : i32
    %dma_start3A_406 = arith.constant 0 : i32
    %dma_start3A_407 = arith.constant 0 : i32
    %dma_start3A_408 = arith.constant 0 : i32
    %dma_start3A_409 = arith.constant 0 : i32
    %dma_start3A_410 = tpu.memref_slice %arg6[%dma_start3A_405, %dma_start3A_407, %dma_start3A_408, %dma_start3A_409] : memref<2x32x8x128xf32, #tpu.memory_space<vmem>> -> memref<1x32x8x128xf32, #tpu.memory_space<vmem>>
    %dma_start3A_411 = tpu.memref_squeeze %dma_start3A_410 : memref<1x32x8x128xf32, #tpu.memory_space<vmem>> -> memref<32x8x128xf32, #tpu.memory_space<vmem>>
    %dma_start3A_412 = arith.constant 0 : i32
    %dma_start3A_413 = arith.constant 0 : i32
    %dma_start3A_414 = tpu.memref_slice %arg5[%add3A_404, %dma_start3A_412, %dma_start3A_413] : memref<8192x8x128xf32, #tpu.memory_space<hbm>> -> memref<32x8x128xf32, #tpu.memory_space<hbm>>
    %dma_start3A_415 = tpu.memref_slice %arg9[%dma_start3A_406] : memref<2x!tpu.dma_semaphore, #tpu.memory_space<semaphore_mem>> -> memref<1x!tpu.dma_semaphore, #tpu.memory_space<semaphore_mem>>
    %dma_start3A_416 = tpu.memref_squeeze %dma_start3A_415 : memref<1x!tpu.dma_semaphore, #tpu.memory_space<semaphore_mem>> -> memref<!tpu.dma_semaphore, #tpu.memory_space<semaphore_mem>>
    %dma_start3A_417 = arith.constant 0 : i32
    %dma_start3A_418 = arith.constant 0 : i32
    %dma_start3A_419 = tpu.memref_slice %arg5[%add3A_404, %dma_start3A_417, %dma_start3A_418] : memref<8192x8x128xf32, #tpu.memory_space<hbm>> -> memref<32x8x128xf32, #tpu.memory_space<hbm>>
    %dma_start3A_420 = arith.constant 0 : i32
    %dma_start3A_421 = arith.constant 0 : i32
    %dma_start3A_422 = arith.constant 0 : i32
    %dma_start3A_423 = tpu.memref_slice %arg6[%dma_start3A_405, %dma_start3A_420, %dma_start3A_421, %dma_start3A_422] : memref<2x32x8x128xf32, #tpu.memory_space<vmem>> -> memref<1x32x8x128xf32, #tpu.memory_space<vmem>>
    %dma_start3A_424 = tpu.memref_squeeze %dma_start3A_423 : memref<1x32x8x128xf32, #tpu.memory_space<vmem>> -> memref<32x8x128xf32, #tpu.memory_space<vmem>>
    tpu.enqueue_dma source(%dma_start3A_424 : memref<32x8x128xf32, #tpu.memory_space<vmem>>) target(%dma_start3A_419 : memref<32x8x128xf32, #tpu.memory_space<hbm>>) target_semaphore(%dma_start3A_416 : memref<!tpu.dma_semaphore, #tpu.memory_space<semaphore_mem>>)
    %dma_wait3A_425 = arith.constant 0 : i32
    %dma_wait3A_426 = arith.constant 0 : i32
    %dma_wait3A_427 = arith.constant 0 : i32
    %dma_wait3A_428 = arith.constant 0 : i32
    %dma_wait3A_429 = arith.constant 0 : i32
    %dma_wait3A_430 = tpu.memref_slice %arg6[%dma_wait3A_425, %dma_wait3A_427, %dma_wait3A_428, %dma_wait3A_429] : memref<2x32x8x128xf32, #tpu.memory_space<vmem>> -> memref<1x32x8x128xf32, #tpu.memory_space<vmem>>
    %dma_wait3A_431 = tpu.memref_squeeze %dma_wait3A_430 : memref<1x32x8x128xf32, #tpu.memory_space<vmem>> -> memref<32x8x128xf32, #tpu.memory_space<vmem>>
    %dma_wait3A_432 = arith.constant 0 : i32
    %dma_wait3A_433 = arith.constant 0 : i32
    %dma_wait3A_434 = tpu.memref_slice %arg5[%add3A_404, %dma_wait3A_432, %dma_wait3A_433] : memref<8192x8x128xf32, #tpu.memory_space<hbm>> -> memref<32x8x128xf32, #tpu.memory_space<hbm>>
    %dma_wait3A_435 = tpu.memref_slice %arg9[%dma_wait3A_426] : memref<2x!tpu.dma_semaphore, #tpu.memory_space<semaphore_mem>> -> memref<1x!tpu.dma_semaphore, #tpu.memory_space<semaphore_mem>>
    %dma_wait3A_436 = tpu.memref_squeeze %dma_wait3A_435 : memref<1x!tpu.dma_semaphore, #tpu.memory_space<semaphore_mem>> -> memref<!tpu.dma_semaphore, #tpu.memory_space<semaphore_mem>>
    %dma_wait3A_437 = arith.constant 0 : i32
    %dma_wait3A_438 = arith.constant 0 : i32
    %dma_wait3A_439 = tpu.memref_slice %arg5[%add3A_404, %dma_wait3A_437, %dma_wait3A_438] : memref<8192x8x128xf32, #tpu.memory_space<hbm>> -> memref<32x8x128xf32, #tpu.memory_space<hbm>>
    %dma_wait3A_440 = arith.constant 0 : i32
    %dma_wait3A_441 = arith.constant 0 : i32
    %dma_wait3A_442 = arith.constant 0 : i32
    %dma_wait3A_443 = tpu.memref_slice %arg6[%dma_wait3A_425, %dma_wait3A_440, %dma_wait3A_441, %dma_wait3A_442] : memref<2x32x8x128xf32, #tpu.memory_space<vmem>> -> memref<1x32x8x128xf32, #tpu.memory_space<vmem>>
    %dma_wait3A_444 = tpu.memref_squeeze %dma_wait3A_443 : memref<1x32x8x128xf32, #tpu.memory_space<vmem>> -> memref<32x8x128xf32, #tpu.memory_space<vmem>>
    tpu.wait_dma2 semaphore(%dma_wait3A_436 : memref<!tpu.dma_semaphore, #tpu.memory_space<semaphore_mem>>) src(%dma_wait3A_444 : memref<32x8x128xf32, #tpu.memory_space<vmem>>) dst(%dma_wait3A_439 : memref<32x8x128xf32, #tpu.memory_space<hbm>>)
    %add3A_445 = arith.constant 192 : i32
    %add3A_446 = arith.addi %mul3A_2, %add3A_445 : i32
    %dma_start3A_447 = arith.constant 0 : i32
    %dma_start3A_448 = arith.constant 0 : i32
    %dma_start3A_449 = arith.constant 0 : i32
    %dma_start3A_450 = arith.constant 0 : i32
    %dma_start3A_451 = arith.constant 0 : i32
    %dma_start3A_452 = tpu.memref_slice %arg6[%dma_start3A_447, %dma_start3A_449, %dma_start3A_450, %dma_start3A_451] : memref<2x32x8x128xf32, #tpu.memory_space<vmem>> -> memref<1x32x8x128xf32, #tpu.memory_space<vmem>>
    %dma_start3A_453 = tpu.memref_squeeze %dma_start3A_452 : memref<1x32x8x128xf32, #tpu.memory_space<vmem>> -> memref<32x8x128xf32, #tpu.memory_space<vmem>>
    %dma_start3A_454 = arith.constant 0 : i32
    %dma_start3A_455 = arith.constant 0 : i32
    %dma_start3A_456 = tpu.memref_slice %arg2[%add3A_446, %dma_start3A_454, %dma_start3A_455] : memref<8192x8x128xf32, #tpu.memory_space<hbm>> -> memref<32x8x128xf32, #tpu.memory_space<hbm>>
    %dma_start3A_457 = tpu.memref_slice %arg8[%dma_start3A_448] : memref<2x!tpu.dma_semaphore, #tpu.memory_space<semaphore_mem>> -> memref<1x!tpu.dma_semaphore, #tpu.memory_space<semaphore_mem>>
    %dma_start3A_458 = tpu.memref_squeeze %dma_start3A_457 : memref<1x!tpu.dma_semaphore, #tpu.memory_space<semaphore_mem>> -> memref<!tpu.dma_semaphore, #tpu.memory_space<semaphore_mem>>
    %dma_start3A_459 = arith.constant 0 : i32
    %dma_start3A_460 = arith.constant 0 : i32
    %dma_start3A_461 = arith.constant 0 : i32
    %dma_start3A_462 = tpu.memref_slice %arg6[%dma_start3A_447, %dma_start3A_459, %dma_start3A_460, %dma_start3A_461] : memref<2x32x8x128xf32, #tpu.memory_space<vmem>> -> memref<1x32x8x128xf32, #tpu.memory_space<vmem>>
    %dma_start3A_463 = tpu.memref_squeeze %dma_start3A_462 : memref<1x32x8x128xf32, #tpu.memory_space<vmem>> -> memref<32x8x128xf32, #tpu.memory_space<vmem>>
    %dma_start3A_464 = arith.constant 0 : i32
    %dma_start3A_465 = arith.constant 0 : i32
    %dma_start3A_466 = tpu.memref_slice %arg2[%add3A_446, %dma_start3A_464, %dma_start3A_465] : memref<8192x8x128xf32, #tpu.memory_space<hbm>> -> memref<32x8x128xf32, #tpu.memory_space<hbm>>
    tpu.enqueue_dma source(%dma_start3A_466 : memref<32x8x128xf32, #tpu.memory_space<hbm>>) target(%dma_start3A_463 : memref<32x8x128xf32, #tpu.memory_space<vmem>>) target_semaphore(%dma_start3A_458 : memref<!tpu.dma_semaphore, #tpu.memory_space<semaphore_mem>>)
    %dma_wait3A_467 = arith.constant 1 : i32
    %dma_wait3A_468 = arith.constant 1 : i32
    %dma_wait3A_469 = arith.constant 0 : i32
    %dma_wait3A_470 = arith.constant 0 : i32
    %dma_wait3A_471 = arith.constant 0 : i32
    %dma_wait3A_472 = tpu.memref_slice %arg6[%dma_wait3A_467, %dma_wait3A_469, %dma_wait3A_470, %dma_wait3A_471] : memref<2x32x8x128xf32, #tpu.memory_space<vmem>> -> memref<1x32x8x128xf32, #tpu.memory_space<vmem>>
    %dma_wait3A_473 = tpu.memref_squeeze %dma_wait3A_472 : memref<1x32x8x128xf32, #tpu.memory_space<vmem>> -> memref<32x8x128xf32, #tpu.memory_space<vmem>>
    %dma_wait3A_474 = arith.constant 0 : i32
    %dma_wait3A_475 = arith.constant 0 : i32
    %dma_wait3A_476 = tpu.memref_slice %arg2[%add3A_362, %dma_wait3A_474, %dma_wait3A_475] : memref<8192x8x128xf32, #tpu.memory_space<hbm>> -> memref<32x8x128xf32, #tpu.memory_space<hbm>>
    %dma_wait3A_477 = tpu.memref_slice %arg8[%dma_wait3A_468] : memref<2x!tpu.dma_semaphore, #tpu.memory_space<semaphore_mem>> -> memref<1x!tpu.dma_semaphore, #tpu.memory_space<semaphore_mem>>
    %dma_wait3A_478 = tpu.memref_squeeze %dma_wait3A_477 : memref<1x!tpu.dma_semaphore, #tpu.memory_space<semaphore_mem>> -> memref<!tpu.dma_semaphore, #tpu.memory_space<semaphore_mem>>
    %dma_wait3A_479 = arith.constant 0 : i32
    %dma_wait3A_480 = arith.constant 0 : i32
    %dma_wait3A_481 = arith.constant 0 : i32
    %dma_wait3A_482 = tpu.memref_slice %arg6[%dma_wait3A_467, %dma_wait3A_479, %dma_wait3A_480, %dma_wait3A_481] : memref<2x32x8x128xf32, #tpu.memory_space<vmem>> -> memref<1x32x8x128xf32, #tpu.memory_space<vmem>>
    %dma_wait3A_483 = tpu.memref_squeeze %dma_wait3A_482 : memref<1x32x8x128xf32, #tpu.memory_space<vmem>> -> memref<32x8x128xf32, #tpu.memory_space<vmem>>
    %dma_wait3A_484 = arith.constant 0 : i32
    %dma_wait3A_485 = arith.constant 0 : i32
    %dma_wait3A_486 = tpu.memref_slice %arg2[%add3A_362, %dma_wait3A_484, %dma_wait3A_485] : memref<8192x8x128xf32, #tpu.memory_space<hbm>> -> memref<32x8x128xf32, #tpu.memory_space<hbm>>
    tpu.wait_dma2 semaphore(%dma_wait3A_478 : memref<!tpu.dma_semaphore, #tpu.memory_space<semaphore_mem>>) src(%dma_wait3A_486 : memref<32x8x128xf32, #tpu.memory_space<hbm>>) dst(%dma_wait3A_483 : memref<32x8x128xf32, #tpu.memory_space<vmem>>)
    %add3A_487 = arith.constant 160 : i32
    %add3A_488 = arith.addi %mul3A_2, %add3A_487 : i32
    %dma_start3A_489 = arith.constant 1 : i32
    %dma_start3A_490 = arith.constant 1 : i32
    %dma_start3A_491 = arith.constant 0 : i32
    %dma_start3A_492 = arith.constant 0 : i32
    %dma_start3A_493 = arith.constant 0 : i32
    %dma_start3A_494 = tpu.memref_slice %arg6[%dma_start3A_489, %dma_start3A_491, %dma_start3A_492, %dma_start3A_493] : memref<2x32x8x128xf32, #tpu.memory_space<vmem>> -> memref<1x32x8x128xf32, #tpu.memory_space<vmem>>
    %dma_start3A_495 = tpu.memref_squeeze %dma_start3A_494 : memref<1x32x8x128xf32, #tpu.memory_space<vmem>> -> memref<32x8x128xf32, #tpu.memory_space<vmem>>
    %dma_start3A_496 = arith.constant 0 : i32
    %dma_start3A_497 = arith.constant 0 : i32
    %dma_start3A_498 = tpu.memref_slice %arg5[%add3A_488, %dma_start3A_496, %dma_start3A_497] : memref<8192x8x128xf32, #tpu.memory_space<hbm>> -> memref<32x8x128xf32, #tpu.memory_space<hbm>>
    %dma_start3A_499 = tpu.memref_slice %arg9[%dma_start3A_490] : memref<2x!tpu.dma_semaphore, #tpu.memory_space<semaphore_mem>> -> memref<1x!tpu.dma_semaphore, #tpu.memory_space<semaphore_mem>>
    %dma_start3A_500 = tpu.memref_squeeze %dma_start3A_499 : memref<1x!tpu.dma_semaphore, #tpu.memory_space<semaphore_mem>> -> memref<!tpu.dma_semaphore, #tpu.memory_space<semaphore_mem>>
    %dma_start3A_501 = arith.constant 0 : i32
    %dma_start3A_502 = arith.constant 0 : i32
    %dma_start3A_503 = tpu.memref_slice %arg5[%add3A_488, %dma_start3A_501, %dma_start3A_502] : memref<8192x8x128xf32, #tpu.memory_space<hbm>> -> memref<32x8x128xf32, #tpu.memory_space<hbm>>
    %dma_start3A_504 = arith.constant 0 : i32
    %dma_start3A_505 = arith.constant 0 : i32
    %dma_start3A_506 = arith.constant 0 : i32
    %dma_start3A_507 = tpu.memref_slice %arg6[%dma_start3A_489, %dma_start3A_504, %dma_start3A_505, %dma_start3A_506] : memref<2x32x8x128xf32, #tpu.memory_space<vmem>> -> memref<1x32x8x128xf32, #tpu.memory_space<vmem>>
    %dma_start3A_508 = tpu.memref_squeeze %dma_start3A_507 : memref<1x32x8x128xf32, #tpu.memory_space<vmem>> -> memref<32x8x128xf32, #tpu.memory_space<vmem>>
    tpu.enqueue_dma source(%dma_start3A_508 : memref<32x8x128xf32, #tpu.memory_space<vmem>>) target(%dma_start3A_503 : memref<32x8x128xf32, #tpu.memory_space<hbm>>) target_semaphore(%dma_start3A_500 : memref<!tpu.dma_semaphore, #tpu.memory_space<semaphore_mem>>)
    %dma_wait3A_509 = arith.constant 1 : i32
    %dma_wait3A_510 = arith.constant 1 : i32
    %dma_wait3A_511 = arith.constant 0 : i32
    %dma_wait3A_512 = arith.constant 0 : i32
    %dma_wait3A_513 = arith.constant 0 : i32
    %dma_wait3A_514 = tpu.memref_slice %arg6[%dma_wait3A_509, %dma_wait3A_511, %dma_wait3A_512, %dma_wait3A_513] : memref<2x32x8x128xf32, #tpu.memory_space<vmem>> -> memref<1x32x8x128xf32, #tpu.memory_space<vmem>>
    %dma_wait3A_515 = tpu.memref_squeeze %dma_wait3A_514 : memref<1x32x8x128xf32, #tpu.memory_space<vmem>> -> memref<32x8x128xf32, #tpu.memory_space<vmem>>
    %dma_wait3A_516 = arith.constant 0 : i32
    %dma_wait3A_517 = arith.constant 0 : i32
    %dma_wait3A_518 = tpu.memref_slice %arg5[%add3A_488, %dma_wait3A_516, %dma_wait3A_517] : memref<8192x8x128xf32, #tpu.memory_space<hbm>> -> memref<32x8x128xf32, #tpu.memory_space<hbm>>
    %dma_wait3A_519 = tpu.memref_slice %arg9[%dma_wait3A_510] : memref<2x!tpu.dma_semaphore, #tpu.memory_space<semaphore_mem>> -> memref<1x!tpu.dma_semaphore, #tpu.memory_space<semaphore_mem>>
    %dma_wait3A_520 = tpu.memref_squeeze %dma_wait3A_519 : memref<1x!tpu.dma_semaphore, #tpu.memory_space<semaphore_mem>> -> memref<!tpu.dma_semaphore, #tpu.memory_space<semaphore_mem>>
    %dma_wait3A_521 = arith.constant 0 : i32
    %dma_wait3A_522 = arith.constant 0 : i32
    %dma_wait3A_523 = tpu.memref_slice %arg5[%add3A_488, %dma_wait3A_521, %dma_wait3A_522] : memref<8192x8x128xf32, #tpu.memory_space<hbm>> -> memref<32x8x128xf32, #tpu.memory_space<hbm>>
    %dma_wait3A_524 = arith.constant 0 : i32
    %dma_wait3A_525 = arith.constant 0 : i32
    %dma_wait3A_526 = arith.constant 0 : i32
    %dma_wait3A_527 = tpu.memref_slice %arg6[%dma_wait3A_509, %dma_wait3A_524, %dma_wait3A_525, %dma_wait3A_526] : memref<2x32x8x128xf32, #tpu.memory_space<vmem>> -> memref<1x32x8x128xf32, #tpu.memory_space<vmem>>
    %dma_wait3A_528 = tpu.memref_squeeze %dma_wait3A_527 : memref<1x32x8x128xf32, #tpu.memory_space<vmem>> -> memref<32x8x128xf32, #tpu.memory_space<vmem>>
    tpu.wait_dma2 semaphore(%dma_wait3A_520 : memref<!tpu.dma_semaphore, #tpu.memory_space<semaphore_mem>>) src(%dma_wait3A_528 : memref<32x8x128xf32, #tpu.memory_space<vmem>>) dst(%dma_wait3A_523 : memref<32x8x128xf32, #tpu.memory_space<hbm>>)
    %add3A_529 = arith.constant 224 : i32
    %add3A_530 = arith.addi %mul3A_2, %add3A_529 : i32
    %dma_start3A_531 = arith.constant 1 : i32
    %dma_start3A_532 = arith.constant 1 : i32
    %dma_start3A_533 = arith.constant 0 : i32
    %dma_start3A_534 = arith.constant 0 : i32
    %dma_start3A_535 = arith.constant 0 : i32
    %dma_start3A_536 = tpu.memref_slice %arg6[%dma_start3A_531, %dma_start3A_533, %dma_start3A_534, %dma_start3A_535] : memref<2x32x8x128xf32, #tpu.memory_space<vmem>> -> memref<1x32x8x128xf32, #tpu.memory_space<vmem>>
    %dma_start3A_537 = tpu.memref_squeeze %dma_start3A_536 : memref<1x32x8x128xf32, #tpu.memory_space<vmem>> -> memref<32x8x128xf32, #tpu.memory_space<vmem>>
    %dma_start3A_538 = arith.constant 0 : i32
    %dma_start3A_539 = arith.constant 0 : i32
    %dma_start3A_540 = tpu.memref_slice %arg2[%add3A_530, %dma_start3A_538, %dma_start3A_539] : memref<8192x8x128xf32, #tpu.memory_space<hbm>> -> memref<32x8x128xf32, #tpu.memory_space<hbm>>
    %dma_start3A_541 = tpu.memref_slice %arg8[%dma_start3A_532] : memref<2x!tpu.dma_semaphore, #tpu.memory_space<semaphore_mem>> -> memref<1x!tpu.dma_semaphore, #tpu.memory_space<semaphore_mem>>
    %dma_start3A_542 = tpu.memref_squeeze %dma_start3A_541 : memref<1x!tpu.dma_semaphore, #tpu.memory_space<semaphore_mem>> -> memref<!tpu.dma_semaphore, #tpu.memory_space<semaphore_mem>>
    %dma_start3A_543 = arith.constant 0 : i32
    %dma_start3A_544 = arith.constant 0 : i32
    %dma_start3A_545 = arith.constant 0 : i32
    %dma_start3A_546 = tpu.memref_slice %arg6[%dma_start3A_531, %dma_start3A_543, %dma_start3A_544, %dma_start3A_545] : memref<2x32x8x128xf32, #tpu.memory_space<vmem>> -> memref<1x32x8x128xf32, #tpu.memory_space<vmem>>
    %dma_start3A_547 = tpu.memref_squeeze %dma_start3A_546 : memref<1x32x8x128xf32, #tpu.memory_space<vmem>> -> memref<32x8x128xf32, #tpu.memory_space<vmem>>
    %dma_start3A_548 = arith.constant 0 : i32
    %dma_start3A_549 = arith.constant 0 : i32
    %dma_start3A_550 = tpu.memref_slice %arg2[%add3A_530, %dma_start3A_548, %dma_start3A_549] : memref<8192x8x128xf32, #tpu.memory_space<hbm>> -> memref<32x8x128xf32, #tpu.memory_space<hbm>>
    tpu.enqueue_dma source(%dma_start3A_550 : memref<32x8x128xf32, #tpu.memory_space<hbm>>) target(%dma_start3A_547 : memref<32x8x128xf32, #tpu.memory_space<vmem>>) target_semaphore(%dma_start3A_542 : memref<!tpu.dma_semaphore, #tpu.memory_space<semaphore_mem>>)
    %dma_wait3A_551 = arith.constant 0 : i32
    %dma_wait3A_552 = arith.constant 0 : i32
    %dma_wait3A_553 = arith.constant 0 : i32
    %dma_wait3A_554 = arith.constant 0 : i32
    %dma_wait3A_555 = arith.constant 0 : i32
    %dma_wait3A_556 = tpu.memref_slice %arg6[%dma_wait3A_551, %dma_wait3A_553, %dma_wait3A_554, %dma_wait3A_555] : memref<2x32x8x128xf32, #tpu.memory_space<vmem>> -> memref<1x32x8x128xf32, #tpu.memory_space<vmem>>
    %dma_wait3A_557 = tpu.memref_squeeze %dma_wait3A_556 : memref<1x32x8x128xf32, #tpu.memory_space<vmem>> -> memref<32x8x128xf32, #tpu.memory_space<vmem>>
    %dma_wait3A_558 = arith.constant 0 : i32
    %dma_wait3A_559 = arith.constant 0 : i32
    %dma_wait3A_560 = tpu.memref_slice %arg2[%add3A_446, %dma_wait3A_558, %dma_wait3A_559] : memref<8192x8x128xf32, #tpu.memory_space<hbm>> -> memref<32x8x128xf32, #tpu.memory_space<hbm>>
    %dma_wait3A_561 = tpu.memref_slice %arg8[%dma_wait3A_552] : memref<2x!tpu.dma_semaphore, #tpu.memory_space<semaphore_mem>> -> memref<1x!tpu.dma_semaphore, #tpu.memory_space<semaphore_mem>>
    %dma_wait3A_562 = tpu.memref_squeeze %dma_wait3A_561 : memref<1x!tpu.dma_semaphore, #tpu.memory_space<semaphore_mem>> -> memref<!tpu.dma_semaphore, #tpu.memory_space<semaphore_mem>>
    %dma_wait3A_563 = arith.constant 0 : i32
    %dma_wait3A_564 = arith.constant 0 : i32
    %dma_wait3A_565 = arith.constant 0 : i32
    %dma_wait3A_566 = tpu.memref_slice %arg6[%dma_wait3A_551, %dma_wait3A_563, %dma_wait3A_564, %dma_wait3A_565] : memref<2x32x8x128xf32, #tpu.memory_space<vmem>> -> memref<1x32x8x128xf32, #tpu.memory_space<vmem>>
    %dma_wait3A_567 = tpu.memref_squeeze %dma_wait3A_566 : memref<1x32x8x128xf32, #tpu.memory_space<vmem>> -> memref<32x8x128xf32, #tpu.memory_space<vmem>>
    %dma_wait3A_568 = arith.constant 0 : i32
    %dma_wait3A_569 = arith.constant 0 : i32
    %dma_wait3A_570 = tpu.memref_slice %arg2[%add3A_446, %dma_wait3A_568, %dma_wait3A_569] : memref<8192x8x128xf32, #tpu.memory_space<hbm>> -> memref<32x8x128xf32, #tpu.memory_space<hbm>>
    tpu.wait_dma2 semaphore(%dma_wait3A_562 : memref<!tpu.dma_semaphore, #tpu.memory_space<semaphore_mem>>) src(%dma_wait3A_570 : memref<32x8x128xf32, #tpu.memory_space<hbm>>) dst(%dma_wait3A_567 : memref<32x8x128xf32, #tpu.memory_space<vmem>>)
    %add3A_571 = arith.constant 192 : i32
    %add3A_572 = arith.addi %mul3A_2, %add3A_571 : i32
    %dma_start3A_573 = arith.constant 0 : i32
    %dma_start3A_574 = arith.constant 0 : i32
    %dma_start3A_575 = arith.constant 0 : i32
    %dma_start3A_576 = arith.constant 0 : i32
    %dma_start3A_577 = arith.constant 0 : i32
    %dma_start3A_578 = tpu.memref_slice %arg6[%dma_start3A_573, %dma_start3A_575, %dma_start3A_576, %dma_start3A_577] : memref<2x32x8x128xf32, #tpu.memory_space<vmem>> -> memref<1x32x8x128xf32, #tpu.memory_space<vmem>>
    %dma_start3A_579 = tpu.memref_squeeze %dma_start3A_578 : memref<1x32x8x128xf32, #tpu.memory_space<vmem>> -> memref<32x8x128xf32, #tpu.memory_space<vmem>>
    %dma_start3A_580 = arith.constant 0 : i32
    %dma_start3A_581 = arith.constant 0 : i32
    %dma_start3A_582 = tpu.memref_slice %arg5[%add3A_572, %dma_start3A_580, %dma_start3A_581] : memref<8192x8x128xf32, #tpu.memory_space<hbm>> -> memref<32x8x128xf32, #tpu.memory_space<hbm>>
    %dma_start3A_583 = tpu.memref_slice %arg9[%dma_start3A_574] : memref<2x!tpu.dma_semaphore, #tpu.memory_space<semaphore_mem>> -> memref<1x!tpu.dma_semaphore, #tpu.memory_space<semaphore_mem>>
    %dma_start3A_584 = tpu.memref_squeeze %dma_start3A_583 : memref<1x!tpu.dma_semaphore, #tpu.memory_space<semaphore_mem>> -> memref<!tpu.dma_semaphore, #tpu.memory_space<semaphore_mem>>
    %dma_start3A_585 = arith.constant 0 : i32
    %dma_start3A_586 = arith.constant 0 : i32
    %dma_start3A_587 = tpu.memref_slice %arg5[%add3A_572, %dma_start3A_585, %dma_start3A_586] : memref<8192x8x128xf32, #tpu.memory_space<hbm>> -> memref<32x8x128xf32, #tpu.memory_space<hbm>>
    %dma_start3A_588 = arith.constant 0 : i32
    %dma_start3A_589 = arith.constant 0 : i32
    %dma_start3A_590 = arith.constant 0 : i32
    %dma_start3A_591 = tpu.memref_slice %arg6[%dma_start3A_573, %dma_start3A_588, %dma_start3A_589, %dma_start3A_590] : memref<2x32x8x128xf32, #tpu.memory_space<vmem>> -> memref<1x32x8x128xf32, #tpu.memory_space<vmem>>
    %dma_start3A_592 = tpu.memref_squeeze %dma_start3A_591 : memref<1x32x8x128xf32, #tpu.memory_space<vmem>> -> memref<32x8x128xf32, #tpu.memory_space<vmem>>
    tpu.enqueue_dma source(%dma_start3A_592 : memref<32x8x128xf32, #tpu.memory_space<vmem>>) target(%dma_start3A_587 : memref<32x8x128xf32, #tpu.memory_space<hbm>>) target_semaphore(%dma_start3A_584 : memref<!tpu.dma_semaphore, #tpu.memory_space<semaphore_mem>>)
    %dma_wait3A_593 = arith.constant 1 : i32
    %dma_wait3A_594 = arith.constant 1 : i32
    %dma_wait3A_595 = arith.constant 0 : i32
    %dma_wait3A_596 = arith.constant 0 : i32
    %dma_wait3A_597 = arith.constant 0 : i32
    %dma_wait3A_598 = tpu.memref_slice %arg6[%dma_wait3A_593, %dma_wait3A_595, %dma_wait3A_596, %dma_wait3A_597] : memref<2x32x8x128xf32, #tpu.memory_space<vmem>> -> memref<1x32x8x128xf32, #tpu.memory_space<vmem>>
    %dma_wait3A_599 = tpu.memref_squeeze %dma_wait3A_598 : memref<1x32x8x128xf32, #tpu.memory_space<vmem>> -> memref<32x8x128xf32, #tpu.memory_space<vmem>>
    %dma_wait3A_600 = arith.constant 0 : i32
    %dma_wait3A_601 = arith.constant 0 : i32
    %dma_wait3A_602 = tpu.memref_slice %arg2[%add3A_530, %dma_wait3A_600, %dma_wait3A_601] : memref<8192x8x128xf32, #tpu.memory_space<hbm>> -> memref<32x8x128xf32, #tpu.memory_space<hbm>>
    %dma_wait3A_603 = tpu.memref_slice %arg8[%dma_wait3A_594] : memref<2x!tpu.dma_semaphore, #tpu.memory_space<semaphore_mem>> -> memref<1x!tpu.dma_semaphore, #tpu.memory_space<semaphore_mem>>
    %dma_wait3A_604 = tpu.memref_squeeze %dma_wait3A_603 : memref<1x!tpu.dma_semaphore, #tpu.memory_space<semaphore_mem>> -> memref<!tpu.dma_semaphore, #tpu.memory_space<semaphore_mem>>
    %dma_wait3A_605 = arith.constant 0 : i32
    %dma_wait3A_606 = arith.constant 0 : i32
    %dma_wait3A_607 = arith.constant 0 : i32
    %dma_wait3A_608 = tpu.memref_slice %arg6[%dma_wait3A_593, %dma_wait3A_605, %dma_wait3A_606, %dma_wait3A_607] : memref<2x32x8x128xf32, #tpu.memory_space<vmem>> -> memref<1x32x8x128xf32, #tpu.memory_space<vmem>>
    %dma_wait3A_609 = tpu.memref_squeeze %dma_wait3A_608 : memref<1x32x8x128xf32, #tpu.memory_space<vmem>> -> memref<32x8x128xf32, #tpu.memory_space<vmem>>
    %dma_wait3A_610 = arith.constant 0 : i32
    %dma_wait3A_611 = arith.constant 0 : i32
    %dma_wait3A_612 = tpu.memref_slice %arg2[%add3A_530, %dma_wait3A_610, %dma_wait3A_611] : memref<8192x8x128xf32, #tpu.memory_space<hbm>> -> memref<32x8x128xf32, #tpu.memory_space<hbm>>
    tpu.wait_dma2 semaphore(%dma_wait3A_604 : memref<!tpu.dma_semaphore, #tpu.memory_space<semaphore_mem>>) src(%dma_wait3A_612 : memref<32x8x128xf32, #tpu.memory_space<hbm>>) dst(%dma_wait3A_609 : memref<32x8x128xf32, #tpu.memory_space<vmem>>)
    %add3A_613 = arith.constant 224 : i32
    %add3A_614 = arith.addi %mul3A_2, %add3A_613 : i32
    %dma_start3A_615 = arith.constant 1 : i32
    %dma_start3A_616 = arith.constant 1 : i32
    %dma_start3A_617 = arith.constant 0 : i32
    %dma_start3A_618 = arith.constant 0 : i32
    %dma_start3A_619 = arith.constant 0 : i32
    %dma_start3A_620 = tpu.memref_slice %arg6[%dma_start3A_615, %dma_start3A_617, %dma_start3A_618, %dma_start3A_619] : memref<2x32x8x128xf32, #tpu.memory_space<vmem>> -> memref<1x32x8x128xf32, #tpu.memory_space<vmem>>
    %dma_start3A_621 = tpu.memref_squeeze %dma_start3A_620 : memref<1x32x8x128xf32, #tpu.memory_space<vmem>> -> memref<32x8x128xf32, #tpu.memory_space<vmem>>
    %dma_start3A_622 = arith.constant 0 : i32
    %dma_start3A_623 = arith.constant 0 : i32
    %dma_start3A_624 = tpu.memref_slice %arg5[%add3A_614, %dma_start3A_622, %dma_start3A_623] : memref<8192x8x128xf32, #tpu.memory_space<hbm>> -> memref<32x8x128xf32, #tpu.memory_space<hbm>>
    %dma_start3A_625 = tpu.memref_slice %arg9[%dma_start3A_616] : memref<2x!tpu.dma_semaphore, #tpu.memory_space<semaphore_mem>> -> memref<1x!tpu.dma_semaphore, #tpu.memory_space<semaphore_mem>>
    %dma_start3A_626 = tpu.memref_squeeze %dma_start3A_625 : memref<1x!tpu.dma_semaphore, #tpu.memory_space<semaphore_mem>> -> memref<!tpu.dma_semaphore, #tpu.memory_space<semaphore_mem>>
    %dma_start3A_627 = arith.constant 0 : i32
    %dma_start3A_628 = arith.constant 0 : i32
    %dma_start3A_629 = tpu.memref_slice %arg5[%add3A_614, %dma_start3A_627, %dma_start3A_628] : memref<8192x8x128xf32, #tpu.memory_space<hbm>> -> memref<32x8x128xf32, #tpu.memory_space<hbm>>
    %dma_start3A_630 = arith.constant 0 : i32
    %dma_start3A_631 = arith.constant 0 : i32
    %dma_start3A_632 = arith.constant 0 : i32
    %dma_start3A_633 = tpu.memref_slice %arg6[%dma_start3A_615, %dma_start3A_630, %dma_start3A_631, %dma_start3A_632] : memref<2x32x8x128xf32, #tpu.memory_space<vmem>> -> memref<1x32x8x128xf32, #tpu.memory_space<vmem>>
    %dma_start3A_634 = tpu.memref_squeeze %dma_start3A_633 : memref<1x32x8x128xf32, #tpu.memory_space<vmem>> -> memref<32x8x128xf32, #tpu.memory_space<vmem>>
    tpu.enqueue_dma source(%dma_start3A_634 : memref<32x8x128xf32, #tpu.memory_space<vmem>>) target(%dma_start3A_629 : memref<32x8x128xf32, #tpu.memory_space<hbm>>) target_semaphore(%dma_start3A_626 : memref<!tpu.dma_semaphore, #tpu.memory_space<semaphore_mem>>)
    %dma_wait3A_635 = arith.constant 0 : i32
    %dma_wait3A_636 = arith.constant 0 : i32
    %dma_wait3A_637 = arith.constant 0 : i32
    %dma_wait3A_638 = arith.constant 0 : i32
    %dma_wait3A_639 = arith.constant 0 : i32
    %dma_wait3A_640 = tpu.memref_slice %arg6[%dma_wait3A_635, %dma_wait3A_637, %dma_wait3A_638, %dma_wait3A_639] : memref<2x32x8x128xf32, #tpu.memory_space<vmem>> -> memref<1x32x8x128xf32, #tpu.memory_space<vmem>>
    %dma_wait3A_641 = tpu.memref_squeeze %dma_wait3A_640 : memref<1x32x8x128xf32, #tpu.memory_space<vmem>> -> memref<32x8x128xf32, #tpu.memory_space<vmem>>
    %dma_wait3A_642 = arith.constant 0 : i32
    %dma_wait3A_643 = arith.constant 0 : i32
    %dma_wait3A_644 = tpu.memref_slice %arg5[%add3A_572, %dma_wait3A_642, %dma_wait3A_643] : memref<8192x8x128xf32, #tpu.memory_space<hbm>> -> memref<32x8x128xf32, #tpu.memory_space<hbm>>
    %dma_wait3A_645 = tpu.memref_slice %arg9[%dma_wait3A_636] : memref<2x!tpu.dma_semaphore, #tpu.memory_space<semaphore_mem>> -> memref<1x!tpu.dma_semaphore, #tpu.memory_space<semaphore_mem>>
    %dma_wait3A_646 = tpu.memref_squeeze %dma_wait3A_645 : memref<1x!tpu.dma_semaphore, #tpu.memory_space<semaphore_mem>> -> memref<!tpu.dma_semaphore, #tpu.memory_space<semaphore_mem>>
    %dma_wait3A_647 = arith.constant 0 : i32
    %dma_wait3A_648 = arith.constant 0 : i32
    %dma_wait3A_649 = tpu.memref_slice %arg5[%add3A_572, %dma_wait3A_647, %dma_wait3A_648] : memref<8192x8x128xf32, #tpu.memory_space<hbm>> -> memref<32x8x128xf32, #tpu.memory_space<hbm>>
    %dma_wait3A_650 = arith.constant 0 : i32
    %dma_wait3A_651 = arith.constant 0 : i32
    %dma_wait3A_652 = arith.constant 0 : i32
    %dma_wait3A_653 = tpu.memref_slice %arg6[%dma_wait3A_635, %dma_wait3A_650, %dma_wait3A_651, %dma_wait3A_652] : memref<2x32x8x128xf32, #tpu.memory_space<vmem>> -> memref<1x32x8x128xf32, #tpu.memory_space<vmem>>
    %dma_wait3A_654 = tpu.memref_squeeze %dma_wait3A_653 : memref<1x32x8x128xf32, #tpu.memory_space<vmem>> -> memref<32x8x128xf32, #tpu.memory_space<vmem>>
    tpu.wait_dma2 semaphore(%dma_wait3A_646 : memref<!tpu.dma_semaphore, #tpu.memory_space<semaphore_mem>>) src(%dma_wait3A_654 : memref<32x8x128xf32, #tpu.memory_space<vmem>>) dst(%dma_wait3A_649 : memref<32x8x128xf32, #tpu.memory_space<hbm>>)
    %dma_wait3A_655 = arith.constant 1 : i32
    %dma_wait3A_656 = arith.constant 1 : i32
    %dma_wait3A_657 = arith.constant 0 : i32
    %dma_wait3A_658 = arith.constant 0 : i32
    %dma_wait3A_659 = arith.constant 0 : i32
    %dma_wait3A_660 = tpu.memref_slice %arg6[%dma_wait3A_655, %dma_wait3A_657, %dma_wait3A_658, %dma_wait3A_659] : memref<2x32x8x128xf32, #tpu.memory_space<vmem>> -> memref<1x32x8x128xf32, #tpu.memory_space<vmem>>
    %dma_wait3A_661 = tpu.memref_squeeze %dma_wait3A_660 : memref<1x32x8x128xf32, #tpu.memory_space<vmem>> -> memref<32x8x128xf32, #tpu.memory_space<vmem>>
    %dma_wait3A_662 = arith.constant 0 : i32
    %dma_wait3A_663 = arith.constant 0 : i32
    %dma_wait3A_664 = tpu.memref_slice %arg5[%add3A_614, %dma_wait3A_662, %dma_wait3A_663] : memref<8192x8x128xf32, #tpu.memory_space<hbm>> -> memref<32x8x128xf32, #tpu.memory_space<hbm>>
    %dma_wait3A_665 = tpu.memref_slice %arg9[%dma_wait3A_656] : memref<2x!tpu.dma_semaphore, #tpu.memory_space<semaphore_mem>> -> memref<1x!tpu.dma_semaphore, #tpu.memory_space<semaphore_mem>>
    %dma_wait3A_666 = tpu.memref_squeeze %dma_wait3A_665 : memref<1x!tpu.dma_semaphore, #tpu.memory_space<semaphore_mem>> -> memref<!tpu.dma_semaphore, #tpu.memory_space<semaphore_mem>>
    %dma_wait3A_667 = arith.constant 0 : i32
    %dma_wait3A_668 = arith.constant 0 : i32
    %dma_wait3A_669 = tpu.memref_slice %arg5[%add3A_614, %dma_wait3A_667, %dma_wait3A_668] : memref<8192x8x128xf32, #tpu.memory_space<hbm>> -> memref<32x8x128xf32, #tpu.memory_space<hbm>>
    %dma_wait3A_670 = arith.constant 0 : i32
    %dma_wait3A_671 = arith.constant 0 : i32
    %dma_wait3A_672 = arith.constant 0 : i32
    %dma_wait3A_673 = tpu.memref_slice %arg6[%dma_wait3A_655, %dma_wait3A_670, %dma_wait3A_671, %dma_wait3A_672] : memref<2x32x8x128xf32, #tpu.memory_space<vmem>> -> memref<1x32x8x128xf32, #tpu.memory_space<vmem>>
    %dma_wait3A_674 = tpu.memref_squeeze %dma_wait3A_673 : memref<1x32x8x128xf32, #tpu.memory_space<vmem>> -> memref<32x8x128xf32, #tpu.memory_space<vmem>>
    tpu.wait_dma2 semaphore(%dma_wait3A_666 : memref<!tpu.dma_semaphore, #tpu.memory_space<semaphore_mem>>) src(%dma_wait3A_674 : memref<32x8x128xf32, #tpu.memory_space<vmem>>) dst(%dma_wait3A_669 : memref<32x8x128xf32, #tpu.memory_space<hbm>>)
    %scan3A = arith.constant 0 : i32
    %scan3A_675 = arith.constant 0 : i32
    %scan3A_676 = arith.constant 32 : i32
    %scan3A_677 = arith.addi %scan3A_675, %scan3A_676 : i32
    %scan3A_678 = arith.constant 1 : i32
    scf.for %scan3A_680 = %scan3A_675 to %scan3A_677 step %scan3A_678  : i32 {
      %add3A_681 = arith.addi %squeeze3A, %scan3A_680 : i32
      %ge3A = arith.cmpi sge, %add3A_681, %mul3A_2 : i32
      %add3A_682 = arith.constant 256 : i32
      %add3A_683 = arith.addi %mul3A_2, %add3A_682 : i32
      %lt3A = arith.cmpi slt, %add3A_681, %add3A_683 : i32
      %and3A = arith.andi %ge3A, %lt3A : i1
      %convert_element_type3A = arith.extui %and3A : i1 to i32
      %cond3A = arith.constant 0 : i32
      %cond3A_684 = arith.cmpi ne, %convert_element_type3A, %cond3A : i32
      scf.if %cond3A_684 {
        "tpu.region"() ({
          %run_scoped3A = tpu.sem_alloc : memref<!tpu.dma_semaphore, #tpu.memory_space<semaphore_mem>>
          %dma_start3A_685 = arith.constant 0 : i32
          %dma_start3A_686 = arith.constant 0 : i32
          %dma_start3A_687 = tpu.memref_slice %arg5[%add3A_681, %dma_start3A_685, %dma_start3A_686] : memref<8192x8x128xf32, #tpu.memory_space<hbm>> -> memref<1x8x128xf32, #tpu.memory_space<hbm>>
          %dma_start3A_688 = arith.constant 0 : i32
          %dma_start3A_689 = arith.constant 0 : i32
          %dma_start3A_690 = tpu.memref_slice %arg4[%scan3A_680, %dma_start3A_688, %dma_start3A_689] : memref<32x8x128xf32, #tpu.memory_space<hbm>> -> memref<1x8x128xf32, #tpu.memory_space<hbm>>
          tpu.enqueue_dma source(%dma_start3A_690 : memref<1x8x128xf32, #tpu.memory_space<hbm>>) target(%dma_start3A_687 : memref<1x8x128xf32, #tpu.memory_space<hbm>>) target_semaphore(%run_scoped3A : memref<!tpu.dma_semaphore, #tpu.memory_space<semaphore_mem>>)
          %dma_wait3A_691 = arith.constant 0 : i32
          %dma_wait3A_692 = arith.constant 0 : i32
          %dma_wait3A_693 = tpu.memref_slice %arg5[%add3A_681, %dma_wait3A_691, %dma_wait3A_692] : memref<8192x8x128xf32, #tpu.memory_space<hbm>> -> memref<1x8x128xf32, #tpu.memory_space<hbm>>
          %dma_wait3A_694 = arith.constant 0 : i32
          %dma_wait3A_695 = arith.constant 0 : i32
          %dma_wait3A_696 = tpu.memref_slice %arg4[%scan3A_680, %dma_wait3A_694, %dma_wait3A_695] : memref<32x8x128xf32, #tpu.memory_space<hbm>> -> memref<1x8x128xf32, #tpu.memory_space<hbm>>
          tpu.wait_dma2 semaphore(%run_scoped3A : memref<!tpu.dma_semaphore, #tpu.memory_space<semaphore_mem>>) src(%dma_wait3A_696 : memref<1x8x128xf32, #tpu.memory_space<hbm>>) dst(%dma_wait3A_693 : memref<1x8x128xf32, #tpu.memory_space<hbm>>)
          tpu.yield
        }) : () -> ()
      } else {
      }
    }
    %scan3A_679 = arith.constant 32 : i32
    return
  }
}

module attributes {stable_mosaic.version = 14 : i64} {
  func.func @_keys_body(%arg0: i32, %arg1: memref<1xi32, #tpu.memory_space<smem>>, %arg2: memref<512x8x128xf32, #tpu.memory_space<vmem>>, %arg3: memref<32x8x128xf32, #tpu.memory_space<vmem>>, %arg4: memref<512x8x128xf32, #tpu.memory_space<vmem>>) attributes {dimension_semantics = [#tpu.dimension_semantics<arbitrary>], iteration_bounds = array<i64: 16>, scalar_prefetch = 0 : i64, scratch_operands = 0 : i64, tpu.core_type = #tpu.core_type<tc>, window_params = [{transform_indices = @transform_0, window_bounds = array<i64: 1>}, {transform_indices = @transform_1, window_bounds = array<i64: 512, 8, 128>}, {pipeline_mode = #tpu.pipeline_mode<synchronous>, transform_indices = @transform_2, window_bounds = array<i64: 32, 8, 128>}, {transform_indices = @transform_3, window_bounds = array<i64: 512, 8, 128>}]} {
    %mul3A = arith.constant 512 : i32
    %mul3A_0 = arith.muli %arg0, %mul3A : i32
    %get3A = arith.constant 0 : index
    %get3A_1 = arith.constant 0 : index
    %get3A_2 = arith.constant 0 : index
    %get3A_3 = vector.load %arg2[%get3A, %get3A_1, %get3A_2] : memref<512x8x128xf32, #tpu.memory_space<vmem>>, vector<512x8x128xf32>
    %swap3A = arith.constant 0 : index
    %swap3A_4 = arith.constant 0 : index
    %swap3A_5 = arith.constant 0 : index
    %swap3A_6 = vector.load %arg4[%swap3A, %swap3A_4, %swap3A_5] : memref<512x8x128xf32, #tpu.memory_space<vmem>>, vector<512x8x128xf32>
    tpu.vector_store %arg4[%swap3A, %swap3A_4, %swap3A_5], %get3A_3 {strides = array<i32>} : memref<512x8x128xf32, #tpu.memory_space<vmem>>, vector<512x8x128xf32>,
    %get3A_7 = arith.constant 0 : index
    %get3A_8 = memref.load %arg1[%get3A_7] : memref<1xi32, #tpu.memory_space<smem>>
    %add3A = arith.constant 32 : i32
    %add3A_9 = arith.addi %get3A_8, %add3A : i32
    %gt3A = arith.cmpi sgt, %add3A_9, %mul3A_0 : i32
    %add3A_10 = arith.constant 512 : i32
    %add3A_11 = arith.addi %mul3A_0, %add3A_10 : i32
    %lt3A = arith.cmpi slt, %get3A_8, %add3A_11 : i32
    %and3A = arith.andi %gt3A, %lt3A : i1
    %convert_element_type3A = arith.extui %and3A : i1 to i32
    %cond3A = arith.constant 0 : i32
    %cond3A_12 = arith.cmpi ne, %convert_element_type3A, %cond3A : i32
    scf.if %cond3A_12 {
      %scan3A = arith.constant 0 : i32
      %scan3A_13 = arith.constant 32 : i32
      %scan3A_14 = arith.addi %scan3A, %scan3A_13 : i32
      %scan3A_15 = arith.constant 1 : i32
      scf.for %scan3A_17 = %scan3A to %scan3A_14 step %scan3A_15  : i32 {
        %add3A_18 = arith.addi %get3A_8, %scan3A_17 : i32
        %sub3A = arith.subi %add3A_18, %mul3A_0 : i32
        %ge3A = arith.constant 0 : i32
        %ge3A_19 = arith.cmpi sge, %sub3A, %ge3A : i32
        %lt3A_20 = arith.constant 512 : i32
        %lt3A_21 = arith.cmpi slt, %sub3A, %lt3A_20 : i32
        %and3A_22 = arith.andi %ge3A_19, %lt3A_21 : i1
        %convert_element_type3A_23 = arith.extui %and3A_22 : i1 to i32
        %cond3A_24 = arith.constant 0 : i32
        %cond3A_25 = arith.cmpi ne, %convert_element_type3A_23, %cond3A_24 : i32
        scf.if %cond3A_25 {
          %get3A_26 = arith.index_cast %scan3A_17 : i32 to index
          %get3A_27 = arith.constant 0 : index
          %get3A_28 = arith.constant 0 : index
          %get3A_29 = vector.load %arg3[%get3A_26, %get3A_27, %get3A_28] : memref<32x8x128xf32, #tpu.memory_space<vmem>>, vector<1x8x128xf32>
          %swap3A_30 = arith.index_cast %sub3A : i32 to index
          %swap3A_31 = arith.constant 0 : index
          %swap3A_32 = arith.constant 0 : index
          %swap3A_33 = vector.load %arg4[%swap3A_30, %swap3A_31, %swap3A_32] : memref<512x8x128xf32, #tpu.memory_space<vmem>>, vector<1x8x128xf32>
          tpu.vector_store %arg4[%swap3A_30, %swap3A_31, %swap3A_32], %get3A_29 {strides = array<i32>} : memref<512x8x128xf32, #tpu.memory_space<vmem>>, vector<1x8x128xf32>,
        } else {
        }
      }
      %scan3A_16 = arith.constant 32 : i32
    } else {
    }
    return
  }
  func.func @transform_0(%arg0: i32) -> i32 {
    %c0_i32 = arith.constant 0 : i32
    %c0_i32_0 = arith.constant 0 : i32
    return %c0_i32 : i32
  }
  func.func @transform_1(%arg0: i32) -> (i32, i32, i32) {
    %c0_i32 = arith.constant 0 : i32
    %c0_i32_0 = arith.constant 0 : i32
    %c0_i32_1 = arith.constant 0 : i32
    return %arg0, %c0_i32, %c0_i32_0 : i32, i32, i32
  }
  func.func @transform_2(%arg0: i32) -> (i32, i32, i32) {
    %c0_i32 = arith.constant 0 : i32
    %c0_i32_0 = arith.constant 0 : i32
    %c0_i32_1 = arith.constant 0 : i32
    %c0_i32_2 = arith.constant 0 : i32
    return %c0_i32, %c0_i32_0, %c0_i32_1 : i32, i32, i32
  }
  func.func @transform_3(%arg0: i32) -> (i32, i32, i32) {
    %c0_i32 = arith.constant 0 : i32
    %c0_i32_0 = arith.constant 0 : i32
    %c0_i32_1 = arith.constant 0 : i32
    return %arg0, %c0_i32, %c0_i32_0 : i32, i32, i32
  }
}

</mosaic_0001>

<sc_bundles>
// kernel: kernel.4.cloned.1.call-start
scs
__scs_entry_jumppad:
0x0: {  	(pc) =	sbr.rel $0x88, $3  }
0x1: {  	(tag) =	ssettag $0x0;
	lr =	simm.s32 $0x1  }
0x2: {  	[smem:$0x3F9C] =	sst lr;
	_ =	strace $0xD0000000  }
0x3: {  	_ = 	snop  }
0x4: {  	_ = 	snop  }
0x5: {  	_ = 	snop  }
0x6: {  	_ = 	snop  }
0x7: {  	_ = 	snop  }
__scs_overlays_trampoline_lowered:
0x8: {  	[smem:$0x3FAB] =	sst s0  }
0x9: {  	[smem:$0x3FAC] =	sst s1  }
0xa: {  	[smem:$0x3FAD] =	sst s2  }
0xb: {  	[smem:$0x3FAE] =	sst s3  }
0xc: {  	[smem:$0x3FAF] =	sst s4  }
0xd: {  	[smem:$0x3FB0] =	sst s5  }
0xe: {  	[smem:$0x3FB1] =	sst s6  }
0xf: {  	[smem:$0x3FB2] =	sst s7  }
0x10: {  	[smem:$0x3FB3] =	sst s8  }
0x11: {  	[smem:$0x3FB4] =	sst s9;
	s0 =	simm.s32 @!p0 $0x0  }
0x12: {  	s1 =	sld [smem:$0x3F9A];
	s0 =	simm.s32 @p0 $0x1  }
0x13: {  	[smem:$0x3FB5] =	sst s0;
	s0 =	simm.s32 @!p1 $0x0  }
0x14: {  	s2 =	sld [smem:$0x3F99];
	s0 =	simm.s32 @p1 $0x1  }
0x15: {  	[smem:$0x3FB6] =	sst s0;
	s0 =	simm.s32 @!p2 $0x0  }
0x16: {  	s3 =	sld [smem:$0x3FDB];
	s0 =	simm.s32 @p2 $0x1  }
0x17: {  	s4 =	simm.s32 $0x1BF5;
	[smem:$0x3FB8] =	sst s0  }
0x18: {  	s0 =	sld [smem:$0x3F9B];
	_ =	swait.ge [sflag:s4], $0x0  }
0x19: {  	s7 =	sld [smem:$0x3F9C]  }
0x1a: {  	s8 =	sadd.s32 $0xFFFFE003, lr  }
0x1b: {  	s9 =	sadd.s32 $0xFFFFFEF7, lr;
	s5 =	simm.s32 $0xFFFFFFFF;
	p2 =	slt.u32 s8, $0xFFFFF086  }
0x1c: {  	p1 =	slt.u32 s9, $0xF7A;
	s5 =	simm.s32 @!p2 $0x0  }
0x1d: {  	s5 =	simm.s32 @p1 $0x1;
	p0 =	seq.s32 s7, s2  }
0x1e: {  	s7 =	smul.u32 @!p0 $0xF7A, s2;
	p2 =	seq.s32 @!p0 s5, $0x0  }
0x1f: {  	s9 =	smul.u32 $0xF7A, s1;
	s8 =	simm.s32 @!p0 $0x1BF5;
	p2 =	por !p2, p0  }
0x20: {  	[sflag:s8] =	ssyncset.s32 @!p0 $0xFFFFF086;
	s6 =	sadd.s32 @!p0 s3, s7;
	s7 =	simm.s32 @!p0 $0x108  }
0x21: {  	s3 =	sadd.s32 s3, s9;
	s6 =	sadd.s32 @!p0 $0x88, s6;
	s7 =	simm.s32 @p2 $0x1082  }
0x22: {  	[simem:s7], [sflag:s8] =	dma.local @!p0 [hbm:s6], $0xF7A  }
0x23: {  	s9 =	sor.u32 $0xD0000000, s2;
	s6 =	simm.s32 $0x108;
	_ =	swait.ge @!p0 [sflag:s8], $0x0  }
0x24: {  	s3 =	sadd.s32 $0x88, s3;
	s6 =	simm.s32 @!p1 $0x1082;
	[sflag:s4] =	ssyncset.s32 $0xFFFFF086  }
0x25: {  	[simem:s6], [sflag:s4] =	dma.local [hbm:s3], $0xF7A  }
0x26: {  	[smem:$0x3F9C] =	sst s1;
	(tag) =	ssettag s2;
	_ =	strace s9  }
0x27: {  	s1 =	sld [smem:$0x3FAC]  }
0x28: {  	s2 =	sld [smem:$0x3FAD]  }
0x29: {  	s4 =	sld [smem:$0x3FAF]  }
0x2a: {  	p0 =	seq.s32 s5, $0x0;
	s5 =	sld [smem:$0x3FB0]  }
0x2b: {  	s6 =	sld [smem:$0x3FB1]  }
0x2c: {  	s7 =	sld [smem:$0x3FB2]  }
0x2d: {  	s3 =	simm.s32 $0x108;
	s8 =	sld [smem:$0x3FB3]  }
0x2e: {  	s3 =	simm.s32 @!p0 $0x1082;
	s9 =	sld [smem:$0x3FB4]  }
0x2f: {  	lr =	sadd.s32 s0, s3;
	s0 =	sld [smem:$0x3FAB]  }
0x30: {  	s3 =	sld [smem:$0x3FAE]  }
0x31: {  	[smem:$0x3FB7] =	sst s10  }
0x32: {  	s10 =	sld [smem:$0x3FB5];
	_ =	sdelay $0x3  }
0x33: {  	p0 =	seq.s32 s10, $0x1;
	s10 =	sld [smem:$0x3FB7];
	_ =	sdelay $0x3  }
0x34: {  	[smem:$0x3FB7] =	sst s10  }
0x35: {  	s10 =	sld [smem:$0x3FB6];
	_ =	sdelay $0x3  }
0x36: {  	p1 =	seq.s32 s10, $0x1;
	s10 =	sld [smem:$0x3FB7];
	_ =	sdelay $0x3  }
0x37: {  	[smem:$0x3FB7] =	sst s10  }
0x38: {  	s10 =	sld [smem:$0x3FB8]  }
0x39: {  	_ = 	snop;
	(pc) =	sbr.ind lr, $3  }
0x3a: {  	_ = 	snop  }
0x3b: {  	_ = 	snop  }
0x3c: {  	p2 =	seq.s32 s10, $0x1;
	s10 =	sld [smem:$0x3FB7]  }
0x3d: {  	_ =	shalt  }
0x3e: {  	_ =	shalt  }
0x3f: {  	_ =	shalt  }
0x40: {  	_ =	shalt  }
0x41: {  	_ =	shalt  }
0x42: {  	_ =	shalt  }
0x43: {  	_ =	shalt  }
0x44: {  	_ =	shalt  }
0x45: {  	_ =	shalt  }
0x46: {  	_ =	shalt  }
0x47: {  	_ =	shalt  }
0x48: {  	_ =	shalt  }
0x49: {  	_ =	shalt  }
0x4a: {  	_ =	shalt  }
0x4b: {  	_ =	shalt  }
0x4c: {  	_ =	shalt  }
0x4d: {  	_ =	shalt  }
0x4e: {  	_ =	shalt  }
0x4f: {  	_ =	shalt  }
0x50: {  	_ =	shalt  }
0x51: {  	_ =	shalt  }
0x52: {  	_ =	shalt  }
0x53: {  	_ =	shalt  }
0x54: {  	_ =	shalt  }
0x55: {  	_ =	shalt  }
0x56: {  	_ =	shalt  }
0x57: {  	_ =	shalt  }
0x58: {  	_ =	shalt  }
0x59: {  	_ =	shalt  }
0x5a: {  	_ =	shalt  }
0x5b: {  	_ =	shalt  }
0x5c: {  	_ =	shalt  }
0x5d: {  	_ =	shalt  }
0x5e: {  	_ =	shalt  }
0x5f: {  	_ =	shalt  }
0x60: {  	_ =	shalt  }
0x61: {  	_ =	shalt  }
0x62: {  	_ =	shalt  }
0x63: {  	_ =	shalt  }
0x64: {  	_ =	shalt  }
0x65: {  	_ =	shalt  }
0x66: {  	_ =	shalt  }
0x67: {  	_ =	shalt  }
0x68: {  	_ =	shalt  }
0x69: {  	_ =	shalt  }
0x6a: {  	_ =	shalt  }
0x6b: {  	_ =	shalt  }
0x6c: {  	_ =	shalt  }
0x6d: {  	_ =	shalt  }
0x6e: {  	_ =	shalt  }
0x6f: {  	_ =	shalt  }
0x70: {  	_ =	shalt  }
0x71: {  	_ =	shalt  }
0x72: {  	_ =	shalt  }
0x73: {  	_ =	shalt  }
0x74: {  	_ =	shalt  }
0x75: {  	_ =	shalt  }
0x76: {  	_ =	shalt  }
0x77: {  	_ =	shalt  }
0x78: {  	_ =	shalt  }
0x79: {  	_ =	shalt  }
0x7a: {  	_ =	shalt  }
0x7b: {  	_ =	shalt  }
0x7c: {  	_ =	shalt  }
0x7d: {  	_ =	shalt  }
0x7e: {  	_ =	shalt  }
0x7f: {  	_ =	shalt  }
0x80: {  	_ =	shalt  }
0x81: {  	_ =	shalt  }
0x82: {  	_ =	shalt  }
0x83: {  	_ =	shalt  }
0x84: {  	_ =	shalt  }
0x85: {  	_ =	shalt  }
0x86: {  	_ =	shalt  }
0x87: {  	_ =	shalt  }
.Lfunc_end0:
.L_simem_size_0:
called_computation_lowered:
.L_overlay_start_0:
0x88: {  	s2 =	sld [smem:$0x3FD9]  }
0x89: {  	s3 =	sld [smem:$0x3FFE];
	_ =	sdelay $0x1  }
0x8a: {  	s1 =	srdreg.scid  }
0x8b: {  	s0 =	sand.u32 $0x1, s1  }
0x8c: {  	s14 =	sshll.u32 s0, $0xA;
	s2 =	sadd.s32 s3, s2  }
0x8d: {  	s2 =	sadd.s32 s2, s14  }
0x8e: {  	[smem:$0x3FC3] =	sst s2  }
0x8f: {  	_ = 	snop  }
0x90: {  	s2 =	sld [smem:$0x3FD0];
	_ =	sdelay $0x1  }
0x91: {  	s15 =	sld [smem:$0x3FC8]  }
0x92: {  	s5 =	simm.s32 $0xA;
	s6 =	simm.s32 $0x10;
	s4 =	sld [smem:$0x3FC5]  }
0x93: {  	[smem:s6], [sflag:s5] =	dma.local [hbm:s2], $0x1  }
0x94: {  	_ =	swait.eq [sflag:s5], $0x1  }
0x95: {  	[sflag:s5] =	ssyncset.done $0x0  }
0x96: {  	[sflag:s5] =	ssyncadd.s32 $0xFFFFFFFF  }
0x97: {  	s16 =	sld [smem:$0x11];
	(tm) =	ssettm $0x1  }
0x98: {  	s17 =	sld [smem:$0x3FFB];
	_ =	sdelay $0x3  }
0x99: {  	_ =	strace s17  }
0x9a: {  	s5 =	sld [smem:$0x3FFC];
	_ =	sdelay $0x3  }
0x9b: {  	_ =	strace s5  }
0x9c: {  	s5 =	sld [smem:$0x3FFD];
	_ =	sdelay $0x3  }
0x9d: {  	_ =	strace s5  }
0x9e: {  	_ =	strace $0x8FFFFFFF  }
0x9f: {  	s18 =	sld [smem:$0x3FDB];
	_ =	sdelay $0x1  }
0xa0: {  	s19 =	simm.s32 $_scs_section_size  }
0xa1: {  	s7 =	simm.s32 $_size__tile_overlayer_lowered;
	s8 =	simm.s32 $_tile_overlayer_lowered  }
0xa2: {  	s22 =	simm.s32 $0x1BFF;
	s21 =	sshll.u32 s8, $0x1;
	s5 =	sadd.s32 s19, s18  }
0xa3: {  	s9 =	simm.s32 $0x0;
	s20 =	sshll.u32 s7, $0x1;
	s7 =	sadd.s32 s21, s5  }
0xa4: {  	[timem:s9], [sflag:s22] =	dma.local [hbm:s7], s20  }
0xa5: {  	_ =	swait.ge [sflag:s22], s20  }
0xa6: {  	s6 =	ssub.s32 $0x0, s20;
	[sflag:s22] =	ssyncset.done $0x0  }
0xa7: {  	[sflag:s22] =	ssyncadd.s32 s6;
	_ =	sdelay $0x1  }
0xa8: {  	s23 =	simm.s32 $0x1B8B  }
0xa9: {  	_ =	swait.ge [sflag:s23], $0x1  }
0xaa: {  	[sflag:s23] =	ssyncset.done $0x0  }
0xab: {  	s25 =	simm.s32 $0x1B8E;
	s24 =	sld [smem:$0x3FFE];
	[sflag:s23] =	ssyncadd.s32 $0xFFFFFFFF  }
0xac: {  	s26 =	simm.s32 $execute0_lowered;
	[smem:$0x3FD2] =	sst s25  }
0xad: {  	s7 =	sshll.u32 s26, $0x1;
	_ =	strace $0x80000046;
	[dreg:$0x1] =	wrdreg $0xFFFFFFFF  }
0xae: {  	s28 =	simm.s32 $_size_execute0_lowered;
	s5 =	sadd.s32 s5, s7;
	[dreg:$0x0] =	wrdreg $0x0  }
0xaf: {  	s7 =	sshll.u32 s28, $0x1;
	[dreg:$0x2] =	wrdreg s5  }
0xb0: {  	[dreg:$0x3] =	wrdreg s7  }
0xb1: {  	[dreg:$0x4] =	wrdreg $0xC0  }
0xb2: {  	_ =	task [dreg:s9], $0x5FFFF  }
0xb3: {  	[dreg:$0x1] =	wrdreg $0xFFFFFFFF  }
0xb4: {  	[dreg:$0x0] =	wrdreg $0x60  }
0xb5: {  	[dreg:$0x2] =	wrdreg s15  }
0xb6: {  	[dreg:$0x3] =	wrdreg s24  }
0xb7: {  	[dreg:$0x4] =	wrdreg s4  }
0xb8: {  	[dreg:$0x5] =	wrdreg s16  }
0xb9: {  	[dreg:$0x6] =	wrdreg $0x9  }
0xba: {  	_ =	task.clear_ibuf [dreg:s9], $0x7FFFF;
	_ =	strace $0x90000046  }
0xbb: {  	s29 =	simm.s32 $0x9;
	_ =	strace $0x80000048  }
0xbc: {  	_ =	swait.ge [sflag:s29], $0x1  }
0xbd: {  	[sflag:s29] =	ssyncadd.s32 $0xFFFFFFFF  }
0xbe: {  	_ =	strace $0x90000048  }
0xbf: {  	_ =	sfence  }
0xc0: {  	s30 =	sld [smem:$0x0];
	_ =	sdelay $0x2  }
0xc1: {  	s31 =	sshll.u32 s1, $0xD;
	s1 =	sshrl.u32 s1, $0x2  }
0xc2: {  	s3 =	sand.u32 $0x4000, s31;
	s1 =	sadd.s32 s1, s30  }
0xc3: {  	s0 =	sor.u32 s3, s0;
	s1 =	sshll.u32 s1, $0x11  }
0xc4: {  	s0 =	sor.u32 s1, s0  }
0xc5: {  	s0 =	sadd.s32 $0x8F2B, s0  }
0xc6: {  	[sflag:s0] =	ssyncadd.remote.s32 $0x1  }
0xc7: {  	_ =	sfence.sel $0xFFFF  }
0xc8: {  	[dreg:$0x0] =	wrdreg $0xFFFFFFFF;
	(pc) =	sbr.abs _section_cstart, $3  }
0xc9: {  	[dreg:$0x1] =	wrdreg $0xFFFFFFFF  }
0xca: {  	_ =	task.clear_ibuf [dreg:s9], $0x2FFFF;
	_ =	strace $0x9FFFFFFF  }
0xcb: {  	(tm) =	ssettm $0x7FFFFFFF  }
tec
execute0_lowered:
.L_overlay_start_1:
0x0: {  	(tag) =	ssettag $0x1  }
0x1: {  	s0 =	rddreg [dreg:$0x0]  }
0x2: {  	s6 =	rddreg [dreg:$0x1]  }
0x3: {  	s2 =	rddreg [dreg:$0x2]  }
0x4: {  	s3 =	rddreg [dreg:$0x3]  }
0x5: {  	s4 =	srdreg.scid;
	s1 =	stileid.u32;
	s28 =	simm.s32 $0x8000  }
0x6: {  	s29 =	simm.s32 $0x1;
	s30 =	simm.s32 $0x3;
	s31 =	simm.s32 $0x2  }
0x7: {  	s7 =	sand.u32 $0x1, s4;
	s4 =	simm.s32 $0x0;
	s8 =	sshll.u32 s1, $0x8  }
0x8: {  	s6 =	sadd.s32 $0x800, s6;
	s5 =	sshll.u32 s7, $0xC;
	[smem:$0x7FF] =	sst s4  }
0x9: {  	s7 =	ssub.s32 $0x2, s7;
	s5 =	sor.u32 s8, s5;
	_ =	strace $0x80000047  }
0xa: {  	[dreg:$0x5] =	wrdreg s6;
	s18 =	sshrl.u32 s7, $0x1;
	s8 =	sshll.u32 s5, $0x7  }
0xb: {  	s6 =	ssub.s32 s7, s18;
	s9 =	sor.u32 $0x1000, s8;
	s19 =	sadd.s32 s0, s8  }
0xc: {  	s21 =	sadd.s32 s3, s8;
	s22 =	sor.u32 $0x2000, s8;
	s10 =	sor.u32 $0x3000, s8  }
0xd: {  	s24 =	sor.u32 $0x4000, s8;
	s25 =	sor.u32 $0x5000, s8;
	s26 =	sor.u32 $0x6000, s8  }
0xe: {  	s8 =	sor.u32 $0x7000, s8;
	[dreg:$0x6] =	wrdreg s19;
	s20 =	sadd.s32 s0, s9  }
0xf: {  	[dreg:$0x8] =	wrdreg s21;
	s11 =	sadd.s32 s0, s22;
	s9 =	sadd.s32 s3, s9  }
0x10: {  	s23 =	sadd.s32 s0, s10;
	s7 =	sadd.s32 s3, s22;
	s14 =	sadd.s32 s0, s24  }
0x11: {  	s15 =	sadd.s32 s3, s10;
	s16 =	sadd.s32 s0, s25;
	[dreg:$0x7] =	wrdreg s20  }
0x12: {  	s17 =	sadd.s32 s3, s24;
	s18 =	sadd.s32 s0, s26;
	[dreg:$0x9] =	wrdreg s11  }
0x13: {  	s19 =	sadd.s32 s3, s25;
	s21 =	sadd.s32 s3, s26;
	[dreg:$0xa] =	wrdreg s9  }
0x14: {  	s22 =	sadd.s32 s3, s8;
	s24 =	smax.u32 s6, $0x1;
	[dreg:$0xb] =	wrdreg s23  }
0x15: {  	s26 =	simm.s32 $0x5;
	s25 =	simm.s32 $0x0;
	[dreg:$0xc] =	wrdreg s7  }
0x16: {  	s20 =	sadd.s32 s0, s8;
	s23 =	sadd.s32 $0x100, s5;
	s0 =	simm.s32 $0x4  }
.LBB2_1:
0x17: {  	s6 =	rddreg [dreg:$0x5];
	s7 =	simm.s32 $0x10000  }
0x18: {  	[tilespmem:s7], [sflag:$0x5] =	stream.linear.gather [hbm4b:s6+s4], $0x80, $0x38;
	[tilespmem:$0x10080] =	vst v63  }
0x19: {  	_ =	swait.ge [sflag:s26], $0x80  }
0x1a: {  	[sflag:s26] =	ssyncset.done $0x0  }
0x1b: {  	[sflag:s26] =	ssyncadd.s32 $0xFFFFFF80  }
0x1c: {  	v0 =	vld [tilespmem:$0x10000];
	_ =	sdelay $0x4  }
0x1d: {  	(v2sf) =	vpush v0, $0x0;
	_ =	sdelay $0xa  }
0x1e: {  	s7 =	rddreg [dreg:$0x6]  }
0x1f: {  	[tilespmem:s4], [sflag:$0x1] =	stream.linear.gather [hbm4b:s7+s4], $0x8000, $0x38;
	[tilespmem:$0x10080] =	vst v63  }
0x20: {  	s8 =	rddreg [dreg:$0x7]  }
0x21: {  	[tilespmem:s28], [sflag:$0x2] =	stream.linear.gather [hbm4b:s8+s4], $0x8000, $0x38;
	[tilespmem:$0x10080] =	vst v63  }
0x22: {  	s6 =	spop (v2sf)  }
0x23: {  	_ =	swait.ge [sflag:s29], $0x8000  }
0x24: {  	[sflag:s29] =	ssyncset.done $0x0  }
0x25: {  	s9 =	rddreg [dreg:$0x8];
	[sflag:s29] =	ssyncadd.s32 $0xFFFF8000  }
0x26: {  	[hbm4b:s9+s4] =	stream.linear.scatter [tilespmem:s4], [sflag:$0x3], $0x8000, $0x38;
	[tilespmem:$0x10080] =	vst v63  }
0x27: {  	_ =	swait.ge [sflag:s30], $0x8000  }
0x28: {  	[sflag:s30] =	ssyncset.done $0x0  }
0x29: {  	s10 =	rddreg [dreg:$0x9];
	[sflag:s30] =	ssyncadd.s32 $0xFFFF8000  }
0x2a: {  	[tilespmem:s4], [sflag:$0x1] =	stream.linear.gather [hbm4b:s10+s4], $0x8000, $0x38;
	[tilespmem:$0x10080] =	vst v63  }
0x2b: {  	_ =	swait.ge [sflag:s31], $0x8000  }
0x2c: {  	[sflag:s31] =	ssyncset.done $0x0  }
0x2d: {  	s11 =	rddreg [dreg:$0xa];
	[sflag:s31] =	ssyncadd.s32 $0xFFFF8000  }
0x2e: {  	[hbm4b:s11+s4] =	stream.linear.scatter [tilespmem:s28], [sflag:$0x4], $0x8000, $0x38;
	[tilespmem:$0x10080] =	vst v63  }
0x2f: {  	_ =	swait.ge [sflag:s0], $0x8000  }
0x30: {  	[sflag:s0] =	ssyncset.done $0x0  }
0x31: {  	s12 =	rddreg [dreg:$0xb];
	[sflag:s0] =	ssyncadd.s32 $0xFFFF8000  }
0x32: {  	[tilespmem:s28], [sflag:$0x2] =	stream.linear.gather [hbm4b:s12+s4], $0x8000, $0x38;
	[tilespmem:$0x10080] =	vst v63  }
0x33: {  	_ =	swait.ge [sflag:s29], $0x8000  }
0x34: {  	[sflag:s29] =	ssyncset.done $0x0  }
0x35: {  	s13 =	rddreg [dreg:$0xc];
	[sflag:s29] =	ssyncadd.s32 $0xFFFF8000  }
0x36: {  	[hbm4b:s13+s4] =	stream.linear.scatter [tilespmem:s4], [sflag:$0x3], $0x8000, $0x38;
	[tilespmem:$0x10080] =	vst v63  }
0x37: {  	_ =	swait.ge [sflag:s30], $0x8000  }
0x38: {  	[sflag:s30] =	ssyncset.done $0x0  }
0x39: {  	[sflag:s30] =	ssyncadd.s32 $0xFFFF8000  }
0x3a: {  	[tilespmem:s4], [sflag:$0x1] =	stream.linear.gather [hbm4b:s14+s4], $0x8000, $0x38;
	[tilespmem:$0x10080] =	vst v63  }
0x3b: {  	_ =	swait.ge [sflag:s31], $0x8000  }
0x3c: {  	[sflag:s31] =	ssyncset.done $0x0  }
0x3d: {  	[sflag:s31] =	ssyncadd.s32 $0xFFFF8000  }
0x3e: {  	[hbm4b:s15+s4] =	stream.linear.scatter [tilespmem:s28], [sflag:$0x4], $0x8000, $0x38;
	[tilespmem:$0x10080] =	vst v63  }
0x3f: {  	_ =	swait.ge [sflag:s0], $0x8000  }
0x40: {  	[sflag:s0] =	ssyncset.done $0x0  }
0x41: {  	[sflag:s0] =	ssyncadd.s32 $0xFFFF8000  }
0x42: {  	[tilespmem:s28], [sflag:$0x2] =	stream.linear.gather [hbm4b:s16+s4], $0x8000, $0x38;
	[tilespmem:$0x10080] =	vst v63  }
0x43: {  	_ =	swait.ge [sflag:s29], $0x8000  }
0x44: {  	[sflag:s29] =	ssyncset.done $0x0  }
0x45: {  	[sflag:s29] =	ssyncadd.s32 $0xFFFF8000  }
0x46: {  	[hbm4b:s17+s4] =	stream.linear.scatter [tilespmem:s4], [sflag:$0x3], $0x8000, $0x38;
	[tilespmem:$0x10080] =	vst v63  }
0x47: {  	_ =	swait.ge [sflag:s30], $0x8000  }
0x48: {  	[sflag:s30] =	ssyncset.done $0x0  }
0x49: {  	[sflag:s30] =	ssyncadd.s32 $0xFFFF8000  }
0x4a: {  	[tilespmem:s4], [sflag:$0x1] =	stream.linear.gather [hbm4b:s18+s4], $0x8000, $0x38;
	[tilespmem:$0x10080] =	vst v63  }
0x4b: {  	_ =	swait.ge [sflag:s31], $0x8000  }
0x4c: {  	[sflag:s31] =	ssyncset.done $0x0  }
0x4d: {  	[sflag:s31] =	ssyncadd.s32 $0xFFFF8000  }
0x4e: {  	[hbm4b:s19+s4] =	stream.linear.scatter [tilespmem:s28], [sflag:$0x4], $0x8000, $0x38;
	[tilespmem:$0x10080] =	vst v63  }
0x4f: {  	_ =	swait.ge [sflag:s0], $0x8000  }
0x50: {  	[sflag:s0] =	ssyncset.done $0x0  }
0x51: {  	[sflag:s0] =	ssyncadd.s32 $0xFFFF8000  }
0x52: {  	[tilespmem:s28], [sflag:$0x2] =	stream.linear.gather [hbm4b:s20+s4], $0x8000, $0x38;
	[tilespmem:$0x10080] =	vst v63  }
0x53: {  	_ =	swait.ge [sflag:s29], $0x8000  }
0x54: {  	[sflag:s29] =	ssyncset.done $0x0  }
0x55: {  	[sflag:s29] =	ssyncadd.s32 $0xFFFF8000  }
0x56: {  	[hbm4b:s21+s4] =	stream.linear.scatter [tilespmem:s4], [sflag:$0x3], $0x8000, $0x38;
	[tilespmem:$0x10080] =	vst v63  }
0x57: {  	_ =	swait.ge [sflag:s31], $0x8000  }
0x58: {  	[sflag:s31] =	ssyncset.done $0x0  }
0x59: {  	[sflag:s31] =	ssyncadd.s32 $0xFFFF8000  }
0x5a: {  	[hbm4b:s22+s4] =	stream.linear.scatter [tilespmem:s28], [sflag:$0x4], $0x8000, $0x38;
	[tilespmem:$0x10080] =	vst v63  }
0x5b: {  	p0 =	slt.s32 s6, s5;
	_ =	swait.ge [sflag:s30], $0x8000  }
0x5c: {  	s7 =	sshll.u32 s6, $0x7;
	p1 =	sge.s32 @!p0 s6, s23;
	[sflag:s30] =	ssyncset.done $0x0  }
0x5d: {  	s6 =	sadd.s32 $0x1, s6;
	p0 =	por p1, p0;
	[sflag:s30] =	ssyncadd.s32 $0xFFFF8000  }
0x5e: {  	s8 =	sadd.s32 @!p0 $0x0, s7;
	s9 =	sshll.u32 @!p0 s1, $0x6;
	_ =	swait.ge [sflag:s0], $0x8000  }
0x5f: {  	s8 =	sand.u32 @!p0 $0x1FFFFF80, s8;
	s9 =	sor.u32 @!p0 $0x1C05, s9;
	[sflag:s0] =	ssyncset.done $0x0  }
0x60: {  	s8 =	sadd.s32 @!p0 s3, s8;
	s10 =	sadd.s32 @!p0 $0x0, s2;
	[sflag:s0] =	ssyncadd.s32 $0xFFFF8000  }
0x61: {  	[hbm:s8], [sflag:s9] =	dma.local @!p0 [hbm:s10], $0x80  }
0x62: {  	p1 =	slt.s32 s6, s5;
	s10 =	simm.s32 @!p0 $0x5  }
0x63: {  	p2 =	sge.s32 @!p1 s6, s23;
	_ =	swait.ge @!p0 [sflag:s10], $0x80  }
0x64: {  	s9 =	simm.s32 $0x80;
	s8 =	simm.s32 $0x100;
	[sflag:s10] =	ssyncset.done @!p0 $0x0  }
.LBB2_2:
0x65: {  	[sflag:s10] =	ssyncadd.s32 @!p0 $0xFFFFFF80;
	p0 =	por p2, p1  }
0x66: {  	s11 =	smov.u32 s8;
	s8 =	sadd.s32 $0x80, s8;
	s6 =	sadd.s32 $0x1, s6  }
0x67: {  	s10 =	sadd.s32 @!p0 s9, s7;
	s12 =	sshll.u32 @!p0 s1, $0x6;
	p3 =	sne.s32 s8, $0x1000  }
.Ltmp0:
0x68: {  	s10 =	sand.u32 @!p0 $0x1FFFFF80, s10;
	s12 =	sor.u32 @!p0 $0x1C05, s12;
	(pc) =	sbr.rel @p3 .LBB2_2-.Ltmp0, $4  }
0x69: {  	s9 =	sadd.s32 @!p0 s9, s2;
	s13 =	sadd.s32 @!p0 s3, s10;
	s10 =	simm.s32 @!p0 $0x5  }
0x6a: {  	[hbm:s13], [sflag:s12] =	dma.local @!p0 [hbm:s9], $0x80  }
0x6b: {  	p1 =	slt.s32 s6, s5;
	_ =	swait.ge @!p0 [sflag:s10], $0x80  }
0x6c: {  	p2 =	sge.s32 @!p1 s6, s23;
	s9 =	smov.u32 s11;
	[sflag:s10] =	ssyncset.done @!p0 $0x0  }
0x6d: {  	p1 =	por p2, p1;
	[sflag:s10] =	ssyncadd.s32 @!p0 $0xFFFFFF80;
	s25 =	sadd.s32 $0x1, s25  }
0x6e: {  	s6 =	sadd.s32 @!p1 s9, s7;
	s7 =	sshll.u32 @!p1 s1, $0x6;
	s8 =	sadd.s32 @!p1 s9, s2  }
0x6f: {  	s9 =	simm.s32 @!p1 $0x5;
	p0 =	sne.s32 s25, s24;
	s6 =	sand.u32 @!p1 $0x1FFFFF80, s6  }
.Ltmp1:
0x70: {  	s7 =	sor.u32 @!p1 $0x1C05, s7;
	s6 =	sadd.s32 @!p1 s3, s6;
	(pc) =	sbr.rel @p0 .LBB2_1-.Ltmp1, $4  }
0x71: {  	[hbm:s6], [sflag:s7] =	dma.local @!p1 [hbm:s8], $0x80  }
0x72: {  	_ =	swait.ge @!p1 [sflag:s9], $0x80  }
0x73: {  	[sflag:s9] =	ssyncset.done @!p1 $0x0  }
0x74: {  	[sflag:s9] =	ssyncadd.s32 @!p1 $0xFFFFFF80  }
0x75: {  	_ =	sfence.sel $0x180000  }
0x76: {  	[bflag:$0x0] =	sbarrier.arrive $0xFFFF  }
0x77: {  	_ =	strace $0x90000047  }
0x78: {  	[bflag:$0x2] =	sbarrier.arrive $0xFFFF  }
0x79: {  	p0 =	sne.s32 s1, $0x0;
	s0 =	rddreg [dreg:$0x4]  }
0x7a: {  	s0 =	sadd.s32 @!p0 $0x100000, s0  }
0x7b: {  	[sflag:s0] =	ssyncadd.tile.s32 @!p0 $0x1;
	_ =	shalt  }
.Lfunc_end2:
_tile_overlayer_lowered:
.L_overlay_start_2:
0x7c: {  	(tag) =	ssettag $0x2  }
0x7d: {  	s0 =	rddreg [dreg:$0x0];
	s2 =	stileid.u32  }
0x7e: {  	s1 =	rddreg [dreg:$0x1];
	p0 =	sne.s32 s2, $0x0  }
0x7f: {  	s3 =	rddreg [dreg:$0x2];
	[bflag:$0x3] =	sbarrier.arrive $0xFFFF;
	s2 =	simm.s32 @!p0 $0x1C05  }
0x80: {  	[timem:s3], [sflag:s2] =	dma.local @!p0 [hbm:s0], s1  }
0x81: {  	s0 =	simm.s32 @!p0 $0x5  }
0x82: {  	_ =	swait.ge @!p0 [sflag:s0], s1  }
0x83: {  	s1 =	ssub.s32 @!p0 $0x0, s1;
	[sflag:s0] =	ssyncset.done @!p0 $0x0  }
0x84: {  	[sflag:s0] =	ssyncadd.s32 @!p0 s1  }
0x85: {  	[bflag:$0x3] =	sbarrier.arrive $0xFFFF  }
0x86: {  	_ =	shalt  }

</sc_bundles>
